<compile_context>
chip_gen: v7x
topology: tpu7x:2x2x1
jax: 0.10.2.dev20260603
libtpu: 0.0.44.dev20260713+nightly
codegen_flags: <defaults>
</compile_context>

<pallas_src>
import functools

import jax
import jax.numpy as jnp
from jax import lax
from jax.experimental import pallas as pl
from jax.experimental.pallas import tpu as pltpu
from jax.experimental.pallas import tpu_sc as plsc

NC = 2
NS = 16
L = 16
NW = NC * NS

TOPK_FRAC = 0.2
MASK31 = 0x7FFFFFFF

LEVELS = ((21, 1024), (11, 1024), (0, 2048))
HIST_WORDS = 2048 * L
SUF_WORDS = 2048


@functools.lru_cache(maxsize=None)
def _build(rows: int, row: int, k: int):
    assert rows % NW == 0 and row % L == 0
    rpw = rows // NW
    nv = row // L

    mesh = plsc.VectorSubcoreMesh(
        core_axis_name="c", subcore_axis_name="s", num_cores=NC, num_subcores=NS
    )

    @functools.partial(
        pl.kernel,
        out_type=jax.ShapeDtypeStruct((rows, row), jnp.float32),
        mesh=mesh,
        scratch_types=[
            pltpu.VMEM((row,), jnp.float32),
            pltpu.VMEM((HIST_WORDS,), jnp.int32),
            pltpu.VMEM((SUF_WORDS,), jnp.int32),
        ],
        compiler_params=pltpu.CompilerParams(needs_layout_passes=False),
    )
    def topk_rows(x_hbm, out_hbm, row_v, hist_v, suf_v):
        wid = lax.axis_index("s") * NC + lax.axis_index("c")
        lane = lax.iota(jnp.int32, L)
        ones = jnp.ones((L,), jnp.int32)
        zeros = jnp.zeros((L,), jnp.int32)

        def per_row(r, carry):
            rid = wid * rpw + r
            pltpu.sync_copy(x_hbm.at[rid], row_v)

            prefix = jnp.int32(0)
            cnt_above = jnp.int32(0)
            for li, (shift, width) in enumerate(LEVELS):
                def zbody(i, c):
                    hist_v[pl.ds(i * L, L)] = zeros
                    return c

                lax.fori_loop(0, width, zbody, 0)

                laneoff = lane * width
                digit_bits = width.bit_length() - 1
                mask_shift = shift + digit_bits

                def hbody(i, c, shift=shift, width=width, laneoff=laneoff,
                          mask_shift=mask_shift, prefix=prefix, first=(li == 0)):
                    v = row_v[pl.ds(i * L, L)]
                    b = lax.bitcast_convert_type(v, jnp.int32) & MASK31
                    d = (b >> shift) & (width - 1)
                    idx = laneoff + d
                    if first:
                        plsc.addupdate_scatter(hist_v, [idx], ones)
                    else:
                        m = (b >> mask_shift) == prefix
                        plsc.addupdate_scatter(hist_v, [idx], ones, mask=m)
                    return c

                lax.fori_loop(0, nv, hbody, 0)

                nb = width // L

                def cbody(j, car, width=width, nb=nb, cnt_above=cnt_above):
                    carry_sum, cntv = car
                    cblk = nb - 1 - j
                    acc = hist_v[pl.ds(cblk * L, L)]
                    for l in range(1, L):
                        acc = acc + hist_v[pl.ds(l * width + cblk * L, L)]
                    sfx = lax.rev(jnp.cumsum(lax.rev(acc, (0,))), (0,)) + carry_sum
                    suf_v[pl.ds(cblk * L, L)] = sfx
                    cntv = cntv + (cnt_above + sfx >= k).astype(jnp.int32)
                    return carry_sum + jnp.sum(acc), cntv

                _, cntv = lax.fori_loop(0, nb, cbody, (jnp.int32(0), zeros))
                dsel = jnp.sum(cntv) - 1

                def ubody(j, acc2, dsel=dsel):
                    dv = lax.iota(jnp.int32, L) + j * L
                    sv = suf_v[pl.ds(j * L, L)]
                    return acc2 + jnp.where(dv == dsel + 1, sv, 0)

                accv = lax.fori_loop(0, nb, ubody, zeros)
                cnt_above = cnt_above + jnp.sum(accv)
                prefix = prefix * width + dsel

            tbits = prefix

            def mbody(i, c):
                v = row_v[pl.ds(i * L, L)]
                b = lax.bitcast_convert_type(v, jnp.int32) & MASK31
                row_v[pl.ds(i * L, L)] = jnp.where(b >= tbits, v, jnp.float32(0.0))
                return c

            lax.fori_loop(0, nv, mbody, 0)
            pltpu.sync_copy(row_v, out_hbm.at[rid])
            return carry

        lax.fori_loop(0, rpw, per_row, jnp.int32(0))

    return topk_rows


def kernel(x):
    n, c, h, w = x.shape
    rows, row = n * c, h * w
    k = max(1, int(TOPK_FRAC * row))
    fn = _build(rows, row, k)
    out = fn(x.reshape(rows, row))
    return out.reshape(n, c, h, w)

# --- scband reference (transcript-rebuilt; emitter-appended) ---
"""Pipeline reference for scband-top-klayer-27874337751523 (READ-ONLY COPY).

The authoritative reference and input builder live on the scoring server;
editing this copy changes nothing except your own understanding.
"""

import jax, jax.numpy as jnp
import numpy as np

TOPK = 0.2

def setup_inputs(seed: int = 0) -> dict:
    key = jax.random.key(seed)
    x = jax.random.normal(key, (8, 96, 224, 224), dtype=jnp.float32)
    return {"x": x}

def reference(x):
    n, c, h, w = x.shape
    x_reshape = x.reshape(n, c, h * w)
    topk_keep_num = max(1, int(TOPK * h * w))
    _, index = jax.lax.top_k(jnp.abs(x_reshape), topk_keep_num)
    bi = jnp.arange(n)[:, None, None]
    ci = jnp.arange(c)[None, :, None]
    mask = jnp.zeros_like(x_reshape).at[bi, ci, index].set(1.0)
    sparse_x = mask * x_reshape
    out = sparse_x.reshape(n, c, h, w)
    return out

if __name__ == "__main__":
    import jax
    _d = setup_inputs()
    print(jax.jit(kernel)(*tuple(_d.values())))

</pallas_src>

<mosaic_0001>
#map = affine_map<(d0, d1) -> (0, 0)>
module attributes {stable_mosaic.version = 14 : i64} {
  func.func @topk_rows(%arg0: i32, %arg1: i32, %arg2: memref<768x50176xf32, #tpu.memory_space<hbm>>, %arg3: memref<768x50176xf32, #tpu.memory_space<hbm>>, %arg4: memref<50176xf32, #tpu.memory_space<vmem>>, %arg5: memref<32768xi32, #tpu.memory_space<vmem>>, %arg6: memref<2048xi32, #tpu.memory_space<vmem>>) attributes {dimension_semantics = [#tpu.dimension_semantics<core_parallel>, #tpu.dimension_semantics<subcore_parallel>], iteration_bounds = array<i64: 2, 16>, scalar_prefetch = 0 : i64, scratch_operands = 3 : i64, tpu.core_type = #tpu.core_type<sc_vector_subcore>, window_params = [{transform_indices = #map}, {transform_indices = #map}]} {
    %mul3A = arith.constant 2 : i32
    %mul3A_0 = arith.muli %arg1, %mul3A : i32
    %add3A = arith.addi %mul3A_0, %arg0 : i32
    %iota3A = tpu.iota {dimensions = array<i32: 0>} : vector<16xi32>
    %broadcast_in_dim3A = arith.constant 1 : i32
    %broadcast_in_dim3A_1 = vector.broadcast %broadcast_in_dim3A : i32 to vector<16xi32>
    %broadcast_in_dim3A_2 = arith.constant 0 : i32
    %broadcast_in_dim3A_3 = vector.broadcast %broadcast_in_dim3A_2 : i32 to vector<16xi32>
    %scan3A = arith.constant 0 : i32
    %scan3A_4 = arith.constant 0 : i32
    %scan3A_5 = arith.constant 24 : i32
    %scan3A_6 = arith.addi %scan3A_4, %scan3A_5 : i32
    %scan3A_7 = arith.constant 1 : i32
    scf.for %scan3A_9 = %scan3A_4 to %scan3A_6 step %scan3A_7  : i32 {
      %mul3A_10 = arith.constant 24 : i32
      %mul3A_11 = arith.muli %add3A, %mul3A_10 : i32
      %add3A_12 = arith.addi %mul3A_11, %scan3A_9 : i32
      "tpu.region"() ({
        %run_scoped3A = tpu.sem_alloc : memref<!tpu.dma_semaphore, #tpu.memory_space<semaphore_mem>>
        %dma_start3A = arith.constant 0 : i32
        %dma_start3A_146 = tpu.memref_slice %arg2[%add3A_12, %dma_start3A] : memref<768x50176xf32, #tpu.memory_space<hbm>> -> memref<1x50176xf32, #tpu.memory_space<hbm>>
        %dma_start3A_147 = tpu.memref_squeeze %dma_start3A_146 : memref<1x50176xf32, #tpu.memory_space<hbm>> -> memref<50176xf32, #tpu.memory_space<hbm>>
        %dma_start3A_148 = arith.constant 0 : i32
        %dma_start3A_149 = tpu.memref_slice %arg2[%add3A_12, %dma_start3A_148] : memref<768x50176xf32, #tpu.memory_space<hbm>> -> memref<1x50176xf32, #tpu.memory_space<hbm>>
        %dma_start3A_150 = tpu.memref_squeeze %dma_start3A_149 : memref<1x50176xf32, #tpu.memory_space<hbm>> -> memref<50176xf32, #tpu.memory_space<hbm>>
        tpu.enqueue_dma source(%dma_start3A_150 : memref<50176xf32, #tpu.memory_space<hbm>>) target(%arg4 : memref<50176xf32, #tpu.memory_space<vmem>>) target_semaphore(%run_scoped3A : memref<!tpu.dma_semaphore, #tpu.memory_space<semaphore_mem>>)
        %dma_wait3A = arith.constant 0 : i32
        %dma_wait3A_151 = tpu.memref_slice %arg2[%add3A_12, %dma_wait3A] : memref<768x50176xf32, #tpu.memory_space<hbm>> -> memref<1x50176xf32, #tpu.memory_space<hbm>>
        %dma_wait3A_152 = tpu.memref_squeeze %dma_wait3A_151 : memref<1x50176xf32, #tpu.memory_space<hbm>> -> memref<50176xf32, #tpu.memory_space<hbm>>
        %dma_wait3A_153 = arith.constant 0 : i32
        %dma_wait3A_154 = tpu.memref_slice %arg2[%add3A_12, %dma_wait3A_153] : memref<768x50176xf32, #tpu.memory_space<hbm>> -> memref<1x50176xf32, #tpu.memory_space<hbm>>
        %dma_wait3A_155 = tpu.memref_squeeze %dma_wait3A_154 : memref<1x50176xf32, #tpu.memory_space<hbm>> -> memref<50176xf32, #tpu.memory_space<hbm>>
        tpu.wait_dma2 semaphore(%run_scoped3A : memref<!tpu.dma_semaphore, #tpu.memory_space<semaphore_mem>>) src(%dma_wait3A_155 : memref<50176xf32, #tpu.memory_space<hbm>>) dst(%arg4 : memref<50176xf32, #tpu.memory_space<vmem>>)
        tpu.yield
      }) : () -> ()
      %scan3A_13 = arith.constant 0 : i32
      %scan3A_14 = arith.constant 0 : i32
      %scan3A_15 = arith.constant 1024 : i32
      %scan3A_16 = arith.addi %scan3A_14, %scan3A_15 : i32
      %scan3A_17 = arith.constant 1 : i32
      scf.for %scan3A_146 = %scan3A_14 to %scan3A_16 step %scan3A_17  : i32 {
        %mul3A_147 = arith.constant 16 : i32
        %mul3A_148 = arith.muli %scan3A_146, %mul3A_147 : i32
        %swap3A = arith.index_cast %mul3A_148 : i32 to index
        %swap3A_149 = tpu.vector_load %arg5[%swap3A] {strides = array<i32>} : memref<32768xi32, #tpu.memory_space<vmem>>, vector<16xi32>,
        tpu.vector_store %arg5[%swap3A], %broadcast_in_dim3A_3 {strides = array<i32>} : memref<32768xi32, #tpu.memory_space<vmem>>, vector<16xi32>,
      }
      %scan3A_18 = arith.constant 1024 : i32
      %mul3A_19 = arith.constant 1024 : i32
      %mul3A_20 = vector.broadcast %mul3A_19 : i32 to vector<16xi32>
      %mul3A_21 = arith.muli %iota3A, %mul3A_20 : vector<16xi32>
      %scan3A_22 = arith.constant 0 : i32
      %scan3A_23 = arith.constant 0 : i32
      %scan3A_24 = arith.constant 3136 : i32
      %scan3A_25 = arith.addi %scan3A_23, %scan3A_24 : i32
      %scan3A_26 = arith.constant 1 : i32
      scf.for %scan3A_146 = %scan3A_23 to %scan3A_25 step %scan3A_26  : i32 {
        %mul3A_147 = arith.constant 16 : i32
        %mul3A_148 = arith.muli %scan3A_146, %mul3A_147 : i32
        %get3A = arith.index_cast %mul3A_148 : i32 to index
        %get3A_149 = tpu.vector_load %arg4[%get3A] {strides = array<i32>} : memref<50176xf32, #tpu.memory_space<vmem>>, vector<16xf32>,
        %bitcast_convert_type3A = tpu.bitcast %get3A_149 : vector<16xf32> -> vector<16xi32>
        %and3A = arith.constant 2147483647 : i32
        %and3A_150 = vector.broadcast %and3A : i32 to vector<16xi32>
        %and3A_151 = arith.andi %bitcast_convert_type3A, %and3A_150 : vector<16xi32>
        %shift_right_arithmetic3A = arith.constant 21 : i32
        %shift_right_arithmetic3A_152 = vector.broadcast %shift_right_arithmetic3A : i32 to vector<16xi32>
        %shift_right_arithmetic3A_153 = arith.shrsi %and3A_151, %shift_right_arithmetic3A_152 : vector<16xi32>
        %and3A_154 = arith.constant 1023 : i32
        %and3A_155 = vector.broadcast %and3A_154 : i32 to vector<16xi32>
        %and3A_156 = arith.andi %shift_right_arithmetic3A_153, %and3A_155 : vector<16xi32>
        %add3A_157 = arith.addi %mul3A_21, %and3A_156 : vector<16xi32>
        tpu.vector_store_idx %arg5[%add3A_157], %broadcast_in_dim3A_1 {add = true} : memref<32768xi32, #tpu.memory_space<vmem>>[vector<16xi32>], vector<16xi32>,
      }
      %scan3A_27 = arith.constant 3136 : i32
      %scan3A_28 = arith.constant 0 : i32
      %scan3A_29 = arith.constant 0 : i32
      %scan3A_30 = arith.constant 0 : i32
      %scan3A_31 = arith.constant 64 : i32
      %scan3A_32 = arith.addi %scan3A_30, %scan3A_31 : i32
      %scan3A_33 = arith.constant 1 : i32
      %scan3A_34:2 = scf.for %scan3A_146 = %scan3A_30 to %scan3A_32 step %scan3A_33 iter_args(%scan3A_147 = %scan3A_29, %scan3A_148 = %broadcast_in_dim3A_3) -> (i32, vector<16xi32>)  : i32 {
        %sub3A_149 = arith.constant 63 : i32
        %sub3A_150 = arith.subi %sub3A_149, %scan3A_146 : i32
        %mul3A_151 = arith.constant 16 : i32
        %mul3A_152 = arith.muli %sub3A_150, %mul3A_151 : i32
        %get3A = arith.index_cast %mul3A_152 : i32 to index
        %get3A_153 = tpu.vector_load %arg5[%get3A] {strides = array<i32>} : memref<32768xi32, #tpu.memory_space<vmem>>, vector<16xi32>,
        %mul3A_154 = arith.constant 16 : i32
        %mul3A_155 = arith.muli %sub3A_150, %mul3A_154 : i32
        %add3A_156 = arith.constant 1024 : i32
        %add3A_157 = arith.addi %add3A_156, %mul3A_155 : i32
        %get3A_158 = arith.index_cast %add3A_157 : i32 to index
        %get3A_159 = tpu.vector_load %arg5[%get3A_158] {strides = array<i32>} : memref<32768xi32, #tpu.memory_space<vmem>>, vector<16xi32>,
        %add3A_160 = arith.addi %get3A_153, %get3A_159 : vector<16xi32>
        %mul3A_161 = arith.constant 16 : i32
        %mul3A_162 = arith.muli %sub3A_150, %mul3A_161 : i32
        %add3A_163 = arith.constant 2048 : i32
        %add3A_164 = arith.addi %add3A_163, %mul3A_162 : i32
        %get3A_165 = arith.index_cast %add3A_164 : i32 to index
        %get3A_166 = tpu.vector_load %arg5[%get3A_165] {strides = array<i32>} : memref<32768xi32, #tpu.memory_space<vmem>>, vector<16xi32>,
        %add3A_167 = arith.addi %add3A_160, %get3A_166 : vector<16xi32>
        %mul3A_168 = arith.constant 16 : i32
        %mul3A_169 = arith.muli %sub3A_150, %mul3A_168 : i32
        %add3A_170 = arith.constant 3072 : i32
        %add3A_171 = arith.addi %add3A_170, %mul3A_169 : i32
        %get3A_172 = arith.index_cast %add3A_171 : i32 to index
        %get3A_173 = tpu.vector_load %arg5[%get3A_172] {strides = array<i32>} : memref<32768xi32, #tpu.memory_space<vmem>>, vector<16xi32>,
        %add3A_174 = arith.addi %add3A_167, %get3A_173 : vector<16xi32>
        %mul3A_175 = arith.constant 16 : i32
        %mul3A_176 = arith.muli %sub3A_150, %mul3A_175 : i32
        %add3A_177 = arith.constant 4096 : i32
        %add3A_178 = arith.addi %add3A_177, %mul3A_176 : i32
        %get3A_179 = arith.index_cast %add3A_178 : i32 to index
        %get3A_180 = tpu.vector_load %arg5[%get3A_179] {strides = array<i32>} : memref<32768xi32, #tpu.memory_space<vmem>>, vector<16xi32>,
        %add3A_181 = arith.addi %add3A_174, %get3A_180 : vector<16xi32>
        %mul3A_182 = arith.constant 16 : i32
        %mul3A_183 = arith.muli %sub3A_150, %mul3A_182 : i32
        %add3A_184 = arith.constant 5120 : i32
        %add3A_185 = arith.addi %add3A_184, %mul3A_183 : i32
        %get3A_186 = arith.index_cast %add3A_185 : i32 to index
        %get3A_187 = tpu.vector_load %arg5[%get3A_186] {strides = array<i32>} : memref<32768xi32, #tpu.memory_space<vmem>>, vector<16xi32>,
        %add3A_188 = arith.addi %add3A_181, %get3A_187 : vector<16xi32>
        %mul3A_189 = arith.constant 16 : i32
        %mul3A_190 = arith.muli %sub3A_150, %mul3A_189 : i32
        %add3A_191 = arith.constant 6144 : i32
        %add3A_192 = arith.addi %add3A_191, %mul3A_190 : i32
        %get3A_193 = arith.index_cast %add3A_192 : i32 to index
        %get3A_194 = tpu.vector_load %arg5[%get3A_193] {strides = array<i32>} : memref<32768xi32, #tpu.memory_space<vmem>>, vector<16xi32>,
        %add3A_195 = arith.addi %add3A_188, %get3A_194 : vector<16xi32>
        %mul3A_196 = arith.constant 16 : i32
        %mul3A_197 = arith.muli %sub3A_150, %mul3A_196 : i32
        %add3A_198 = arith.constant 7168 : i32
        %add3A_199 = arith.addi %add3A_198, %mul3A_197 : i32
        %get3A_200 = arith.index_cast %add3A_199 : i32 to index
        %get3A_201 = tpu.vector_load %arg5[%get3A_200] {strides = array<i32>} : memref<32768xi32, #tpu.memory_space<vmem>>, vector<16xi32>,
        %add3A_202 = arith.addi %add3A_195, %get3A_201 : vector<16xi32>
        %mul3A_203 = arith.constant 16 : i32
        %mul3A_204 = arith.muli %sub3A_150, %mul3A_203 : i32
        %add3A_205 = arith.constant 8192 : i32
        %add3A_206 = arith.addi %add3A_205, %mul3A_204 : i32
        %get3A_207 = arith.index_cast %add3A_206 : i32 to index
        %get3A_208 = tpu.vector_load %arg5[%get3A_207] {strides = array<i32>} : memref<32768xi32, #tpu.memory_space<vmem>>, vector<16xi32>,
        %add3A_209 = arith.addi %add3A_202, %get3A_208 : vector<16xi32>
        %mul3A_210 = arith.constant 16 : i32
        %mul3A_211 = arith.muli %sub3A_150, %mul3A_210 : i32
        %add3A_212 = arith.constant 9216 : i32
        %add3A_213 = arith.addi %add3A_212, %mul3A_211 : i32
        %get3A_214 = arith.index_cast %add3A_213 : i32 to index
        %get3A_215 = tpu.vector_load %arg5[%get3A_214] {strides = array<i32>} : memref<32768xi32, #tpu.memory_space<vmem>>, vector<16xi32>,
        %add3A_216 = arith.addi %add3A_209, %get3A_215 : vector<16xi32>
        %mul3A_217 = arith.constant 16 : i32
        %mul3A_218 = arith.muli %sub3A_150, %mul3A_217 : i32
        %add3A_219 = arith.constant 10240 : i32
        %add3A_220 = arith.addi %add3A_219, %mul3A_218 : i32
        %get3A_221 = arith.index_cast %add3A_220 : i32 to index
        %get3A_222 = tpu.vector_load %arg5[%get3A_221] {strides = array<i32>} : memref<32768xi32, #tpu.memory_space<vmem>>, vector<16xi32>,
        %add3A_223 = arith.addi %add3A_216, %get3A_222 : vector<16xi32>
        %mul3A_224 = arith.constant 16 : i32
        %mul3A_225 = arith.muli %sub3A_150, %mul3A_224 : i32
        %add3A_226 = arith.constant 11264 : i32
        %add3A_227 = arith.addi %add3A_226, %mul3A_225 : i32
        %get3A_228 = arith.index_cast %add3A_227 : i32 to index
        %get3A_229 = tpu.vector_load %arg5[%get3A_228] {strides = array<i32>} : memref<32768xi32, #tpu.memory_space<vmem>>, vector<16xi32>,
        %add3A_230 = arith.addi %add3A_223, %get3A_229 : vector<16xi32>
        %mul3A_231 = arith.constant 16 : i32
        %mul3A_232 = arith.muli %sub3A_150, %mul3A_231 : i32
        %add3A_233 = arith.constant 12288 : i32
        %add3A_234 = arith.addi %add3A_233, %mul3A_232 : i32
        %get3A_235 = arith.index_cast %add3A_234 : i32 to index
        %get3A_236 = tpu.vector_load %arg5[%get3A_235] {strides = array<i32>} : memref<32768xi32, #tpu.memory_space<vmem>>, vector<16xi32>,
        %add3A_237 = arith.addi %add3A_230, %get3A_236 : vector<16xi32>
        %mul3A_238 = arith.constant 16 : i32
        %mul3A_239 = arith.muli %sub3A_150, %mul3A_238 : i32
        %add3A_240 = arith.constant 13312 : i32
        %add3A_241 = arith.addi %add3A_240, %mul3A_239 : i32
        %get3A_242 = arith.index_cast %add3A_241 : i32 to index
        %get3A_243 = tpu.vector_load %arg5[%get3A_242] {strides = array<i32>} : memref<32768xi32, #tpu.memory_space<vmem>>, vector<16xi32>,
        %add3A_244 = arith.addi %add3A_237, %get3A_243 : vector<16xi32>
        %mul3A_245 = arith.constant 16 : i32
        %mul3A_246 = arith.muli %sub3A_150, %mul3A_245 : i32
        %add3A_247 = arith.constant 14336 : i32
        %add3A_248 = arith.addi %add3A_247, %mul3A_246 : i32
        %get3A_249 = arith.index_cast %add3A_248 : i32 to index
        %get3A_250 = tpu.vector_load %arg5[%get3A_249] {strides = array<i32>} : memref<32768xi32, #tpu.memory_space<vmem>>, vector<16xi32>,
        %add3A_251 = arith.addi %add3A_244, %get3A_250 : vector<16xi32>
        %mul3A_252 = arith.constant 16 : i32
        %mul3A_253 = arith.muli %sub3A_150, %mul3A_252 : i32
        %add3A_254 = arith.constant 15360 : i32
        %add3A_255 = arith.addi %add3A_254, %mul3A_253 : i32
        %get3A_256 = arith.index_cast %add3A_255 : i32 to index
        %get3A_257 = tpu.vector_load %arg5[%get3A_256] {strides = array<i32>} : memref<32768xi32, #tpu.memory_space<vmem>>, vector<16xi32>,
        %add3A_258 = arith.addi %add3A_251, %get3A_257 : vector<16xi32>
        %rev3A = arith.constant 15 : i32
        %rev3A_259 = vector.broadcast %rev3A : i32 to vector<16xi32>
        %rev3A_260 = tpu.iota {dimensions = array<i32: 0>} : vector<16xi32>
        %rev3A_261 = arith.subi %rev3A_259, %rev3A_260 : vector<16xi32>
        %rev3A_262 = tpu.dynamic_gather %add3A_258[%rev3A_261] in [0] : vector<16xi32>, vector<16xi32> -> vector<16xi32>
        %cumsum3A = arith.constant true
        %cumsum3A_263 = vector.broadcast %cumsum3A : i1 to vector<16xi1>
        %cumsum3A_264 = tpu.scan <sum>, %rev3A_262 masked %cumsum3A_263 : vector<16xi32>, vector<16xi1> -> vector<16xi32>
        %rev3A_265 = arith.constant 15 : i32
        %rev3A_266 = vector.broadcast %rev3A_265 : i32 to vector<16xi32>
        %rev3A_267 = tpu.iota {dimensions = array<i32: 0>} : vector<16xi32>
        %rev3A_268 = arith.subi %rev3A_266, %rev3A_267 : vector<16xi32>
        %rev3A_269 = tpu.dynamic_gather %cumsum3A_264[%rev3A_268] in [0] : vector<16xi32>, vector<16xi32> -> vector<16xi32>
        %add3A_270 = vector.broadcast %scan3A_147 : i32 to vector<16xi32>
        %add3A_271 = arith.addi %rev3A_269, %add3A_270 : vector<16xi32>
        %mul3A_272 = arith.constant 16 : i32
        %mul3A_273 = arith.muli %sub3A_150, %mul3A_272 : i32
        %swap3A = arith.index_cast %mul3A_273 : i32 to index
        %swap3A_274 = tpu.vector_load %arg6[%swap3A] {strides = array<i32>} : memref<2048xi32, #tpu.memory_space<vmem>>, vector<16xi32>,
        tpu.vector_store %arg6[%swap3A], %add3A_271 {strides = array<i32>} : memref<2048xi32, #tpu.memory_space<vmem>>, vector<16xi32>,
        %add3A_275 = vector.broadcast %scan3A_28 : i32 to vector<16xi32>
        %add3A_276 = arith.addi %add3A_275, %add3A_271 : vector<16xi32>
        %ge3A = arith.constant 10035 : i32
        %ge3A_277 = vector.broadcast %ge3A : i32 to vector<16xi32>
        %ge3A_278 = arith.cmpi sge, %add3A_276, %ge3A_277 : vector<16xi32>
        %convert_element_type3A = arith.extui %ge3A_278 : vector<16xi1> to vector<16xi32>
        %add3A_279 = arith.addi %scan3A_148, %convert_element_type3A : vector<16xi32>
        %reduce_sum3A_280 = arith.constant true
        %reduce_sum3A_281 = vector.broadcast %reduce_sum3A_280 : i1 to vector<16xi1>
        %reduce_sum3A_282 = tpu.scan <sum>, %add3A_258 masked %reduce_sum3A_281 : vector<16xi32>, vector<16xi1> -> vector<16xi32>
        %reduce_sum3A_283 = vector.extract %reduce_sum3A_282[15] : i32 from vector<16xi32>
        %add3A_284 = arith.addi %scan3A_147, %reduce_sum3A_283 : i32
        scf.yield %add3A_284, %add3A_279 : i32, vector<16xi32>
      }
      %scan3A_35 = arith.constant 64 : i32
      %reduce_sum3A = arith.constant true
      %reduce_sum3A_36 = vector.broadcast %reduce_sum3A : i1 to vector<16xi1>
      %reduce_sum3A_37 = tpu.scan <sum>, %scan3A_34#1 masked %reduce_sum3A_36 : vector<16xi32>, vector<16xi1> -> vector<16xi32>
      %reduce_sum3A_38 = vector.extract %reduce_sum3A_37[15] : i32 from vector<16xi32>
      %sub3A = arith.constant 1 : i32
      %sub3A_39 = arith.subi %reduce_sum3A_38, %sub3A : i32
      %scan3A_40 = arith.constant 0 : i32
      %scan3A_41 = arith.constant 64 : i32
      %scan3A_42 = arith.addi %scan3A_40, %scan3A_41 : i32
      %scan3A_43 = arith.constant 1 : i32
      %scan3A_44 = scf.for %scan3A_146 = %scan3A_40 to %scan3A_42 step %scan3A_43 iter_args(%scan3A_147 = %broadcast_in_dim3A_3) -> (vector<16xi32>)  : i32 {
        %iota3A_148 = tpu.iota {dimensions = array<i32: 0>} : vector<16xi32>
        %mul3A_149 = arith.constant 16 : i32
        %mul3A_150 = arith.muli %scan3A_146, %mul3A_149 : i32
        %add3A_151 = vector.broadcast %mul3A_150 : i32 to vector<16xi32>
        %add3A_152 = arith.addi %iota3A_148, %add3A_151 : vector<16xi32>
        %mul3A_153 = arith.constant 16 : i32
        %mul3A_154 = arith.muli %scan3A_146, %mul3A_153 : i32
        %get3A = arith.index_cast %mul3A_154 : i32 to index
        %get3A_155 = tpu.vector_load %arg6[%get3A] {strides = array<i32>} : memref<2048xi32, #tpu.memory_space<vmem>>, vector<16xi32>,
        %add3A_156 = arith.constant 1 : i32
        %add3A_157 = arith.addi %sub3A_39, %add3A_156 : i32
        %eq3A = vector.broadcast %add3A_157 : i32 to vector<16xi32>
        %eq3A_158 = arith.cmpi eq, %add3A_152, %eq3A : vector<16xi32>
        %jit3A = arith.constant 0 : i32
        %broadcast_in_dim3A_159 = vector.broadcast %jit3A : i32 to vector<16xi32>
        %select_n3A = arith.select %eq3A_158, %get3A_155, %broadcast_in_dim3A_159 : vector<16xi1>, vector<16xi32>
        %add3A_160 = arith.addi %scan3A_147, %select_n3A : vector<16xi32>
        scf.yield %add3A_160 : vector<16xi32>
      }
      %scan3A_45 = arith.constant 64 : i32
      %reduce_sum3A_46 = arith.constant true
      %reduce_sum3A_47 = vector.broadcast %reduce_sum3A_46 : i1 to vector<16xi1>
      %reduce_sum3A_48 = tpu.scan <sum>, %scan3A_44 masked %reduce_sum3A_47 : vector<16xi32>, vector<16xi1> -> vector<16xi32>
      %reduce_sum3A_49 = vector.extract %reduce_sum3A_48[15] : i32 from vector<16xi32>
      %add3A_50 = arith.constant 0 : i32
      %add3A_51 = arith.addi %add3A_50, %reduce_sum3A_49 : i32
      %mul3A_52 = arith.constant 0 : i32
      %mul3A_53 = arith.constant 1024 : i32
      %mul3A_54 = arith.muli %mul3A_52, %mul3A_53 : i32
      %add3A_55 = arith.addi %mul3A_54, %sub3A_39 : i32
      %scan3A_56 = arith.constant 0 : i32
      %scan3A_57 = arith.constant 0 : i32
      %scan3A_58 = arith.constant 1024 : i32
      %scan3A_59 = arith.addi %scan3A_57, %scan3A_58 : i32
      %scan3A_60 = arith.constant 1 : i32
      scf.for %scan3A_146 = %scan3A_57 to %scan3A_59 step %scan3A_60  : i32 {
        %mul3A_147 = arith.constant 16 : i32
        %mul3A_148 = arith.muli %scan3A_146, %mul3A_147 : i32
        %swap3A = arith.index_cast %mul3A_148 : i32 to index
        %swap3A_149 = tpu.vector_load %arg5[%swap3A] {strides = array<i32>} : memref<32768xi32, #tpu.memory_space<vmem>>, vector<16xi32>,
        tpu.vector_store %arg5[%swap3A], %broadcast_in_dim3A_3 {strides = array<i32>} : memref<32768xi32, #tpu.memory_space<vmem>>, vector<16xi32>,
      }
      %scan3A_61 = arith.constant 1024 : i32
      %mul3A_62 = arith.constant 1024 : i32
      %mul3A_63 = vector.broadcast %mul3A_62 : i32 to vector<16xi32>
      %mul3A_64 = arith.muli %iota3A, %mul3A_63 : vector<16xi32>
      %scan3A_65 = arith.constant 0 : i32
      %scan3A_66 = arith.constant 0 : i32
      %scan3A_67 = arith.constant 3136 : i32
      %scan3A_68 = arith.addi %scan3A_66, %scan3A_67 : i32
      %scan3A_69 = arith.constant 1 : i32
      scf.for %scan3A_146 = %scan3A_66 to %scan3A_68 step %scan3A_69  : i32 {
        %mul3A_147 = arith.constant 16 : i32
        %mul3A_148 = arith.muli %scan3A_146, %mul3A_147 : i32
        %get3A = arith.index_cast %mul3A_148 : i32 to index
        %get3A_149 = tpu.vector_load %arg4[%get3A] {strides = array<i32>} : memref<50176xf32, #tpu.memory_space<vmem>>, vector<16xf32>,
        %bitcast_convert_type3A = tpu.bitcast %get3A_149 : vector<16xf32> -> vector<16xi32>
        %and3A = arith.constant 2147483647 : i32
        %and3A_150 = vector.broadcast %and3A : i32 to vector<16xi32>
        %and3A_151 = arith.andi %bitcast_convert_type3A, %and3A_150 : vector<16xi32>
        %shift_right_arithmetic3A = arith.constant 11 : i32
        %shift_right_arithmetic3A_152 = vector.broadcast %shift_right_arithmetic3A : i32 to vector<16xi32>
        %shift_right_arithmetic3A_153 = arith.shrsi %and3A_151, %shift_right_arithmetic3A_152 : vector<16xi32>
        %and3A_154 = arith.constant 1023 : i32
        %and3A_155 = vector.broadcast %and3A_154 : i32 to vector<16xi32>
        %and3A_156 = arith.andi %shift_right_arithmetic3A_153, %and3A_155 : vector<16xi32>
        %add3A_157 = arith.addi %mul3A_64, %and3A_156 : vector<16xi32>
        %shift_right_arithmetic3A_158 = arith.constant 21 : i32
        %shift_right_arithmetic3A_159 = vector.broadcast %shift_right_arithmetic3A_158 : i32 to vector<16xi32>
        %shift_right_arithmetic3A_160 = arith.shrsi %and3A_151, %shift_right_arithmetic3A_159 : vector<16xi32>
        %eq3A = vector.broadcast %add3A_55 : i32 to vector<16xi32>
        %eq3A_161 = arith.cmpi eq, %shift_right_arithmetic3A_160, %eq3A : vector<16xi32>
        tpu.vector_store_idx %arg5[%add3A_157], %broadcast_in_dim3A_1 masked %eq3A_161 {add = true} : memref<32768xi32, #tpu.memory_space<vmem>>[vector<16xi32>], vector<16xi32>, vector<16xi1>
      }
      %scan3A_70 = arith.constant 3136 : i32
      %scan3A_71 = arith.constant 0 : i32
      %scan3A_72 = arith.constant 0 : i32
      %scan3A_73 = arith.constant 64 : i32
      %scan3A_74 = arith.addi %scan3A_72, %scan3A_73 : i32
      %scan3A_75 = arith.constant 1 : i32
      %scan3A_76:2 = scf.for %scan3A_146 = %scan3A_72 to %scan3A_74 step %scan3A_75 iter_args(%scan3A_147 = %scan3A_71, %scan3A_148 = %broadcast_in_dim3A_3) -> (i32, vector<16xi32>)  : i32 {
        %sub3A_149 = arith.constant 63 : i32
        %sub3A_150 = arith.subi %sub3A_149, %scan3A_146 : i32
        %mul3A_151 = arith.constant 16 : i32
        %mul3A_152 = arith.muli %sub3A_150, %mul3A_151 : i32
        %get3A = arith.index_cast %mul3A_152 : i32 to index
        %get3A_153 = tpu.vector_load %arg5[%get3A] {strides = array<i32>} : memref<32768xi32, #tpu.memory_space<vmem>>, vector<16xi32>,
        %mul3A_154 = arith.constant 16 : i32
        %mul3A_155 = arith.muli %sub3A_150, %mul3A_154 : i32
        %add3A_156 = arith.constant 1024 : i32
        %add3A_157 = arith.addi %add3A_156, %mul3A_155 : i32
        %get3A_158 = arith.index_cast %add3A_157 : i32 to index
        %get3A_159 = tpu.vector_load %arg5[%get3A_158] {strides = array<i32>} : memref<32768xi32, #tpu.memory_space<vmem>>, vector<16xi32>,
        %add3A_160 = arith.addi %get3A_153, %get3A_159 : vector<16xi32>
        %mul3A_161 = arith.constant 16 : i32
        %mul3A_162 = arith.muli %sub3A_150, %mul3A_161 : i32
        %add3A_163 = arith.constant 2048 : i32
        %add3A_164 = arith.addi %add3A_163, %mul3A_162 : i32
        %get3A_165 = arith.index_cast %add3A_164 : i32 to index
        %get3A_166 = tpu.vector_load %arg5[%get3A_165] {strides = array<i32>} : memref<32768xi32, #tpu.memory_space<vmem>>, vector<16xi32>,
        %add3A_167 = arith.addi %add3A_160, %get3A_166 : vector<16xi32>
        %mul3A_168 = arith.constant 16 : i32
        %mul3A_169 = arith.muli %sub3A_150, %mul3A_168 : i32
        %add3A_170 = arith.constant 3072 : i32
        %add3A_171 = arith.addi %add3A_170, %mul3A_169 : i32
        %get3A_172 = arith.index_cast %add3A_171 : i32 to index
        %get3A_173 = tpu.vector_load %arg5[%get3A_172] {strides = array<i32>} : memref<32768xi32, #tpu.memory_space<vmem>>, vector<16xi32>,
        %add3A_174 = arith.addi %add3A_167, %get3A_173 : vector<16xi32>
        %mul3A_175 = arith.constant 16 : i32
        %mul3A_176 = arith.muli %sub3A_150, %mul3A_175 : i32
        %add3A_177 = arith.constant 4096 : i32
        %add3A_178 = arith.addi %add3A_177, %mul3A_176 : i32
        %get3A_179 = arith.index_cast %add3A_178 : i32 to index
        %get3A_180 = tpu.vector_load %arg5[%get3A_179] {strides = array<i32>} : memref<32768xi32, #tpu.memory_space<vmem>>, vector<16xi32>,
        %add3A_181 = arith.addi %add3A_174, %get3A_180 : vector<16xi32>
        %mul3A_182 = arith.constant 16 : i32
        %mul3A_183 = arith.muli %sub3A_150, %mul3A_182 : i32
        %add3A_184 = arith.constant 5120 : i32
        %add3A_185 = arith.addi %add3A_184, %mul3A_183 : i32
        %get3A_186 = arith.index_cast %add3A_185 : i32 to index
        %get3A_187 = tpu.vector_load %arg5[%get3A_186] {strides = array<i32>} : memref<32768xi32, #tpu.memory_space<vmem>>, vector<16xi32>,
        %add3A_188 = arith.addi %add3A_181, %get3A_187 : vector<16xi32>
        %mul3A_189 = arith.constant 16 : i32
        %mul3A_190 = arith.muli %sub3A_150, %mul3A_189 : i32
        %add3A_191 = arith.constant 6144 : i32
        %add3A_192 = arith.addi %add3A_191, %mul3A_190 : i32
        %get3A_193 = arith.index_cast %add3A_192 : i32 to index
        %get3A_194 = tpu.vector_load %arg5[%get3A_193] {strides = array<i32>} : memref<32768xi32, #tpu.memory_space<vmem>>, vector<16xi32>,
        %add3A_195 = arith.addi %add3A_188, %get3A_194 : vector<16xi32>
        %mul3A_196 = arith.constant 16 : i32
        %mul3A_197 = arith.muli %sub3A_150, %mul3A_196 : i32
        %add3A_198 = arith.constant 7168 : i32
        %add3A_199 = arith.addi %add3A_198, %mul3A_197 : i32
        %get3A_200 = arith.index_cast %add3A_199 : i32 to index
        %get3A_201 = tpu.vector_load %arg5[%get3A_200] {strides = array<i32>} : memref<32768xi32, #tpu.memory_space<vmem>>, vector<16xi32>,
        %add3A_202 = arith.addi %add3A_195, %get3A_201 : vector<16xi32>
        %mul3A_203 = arith.constant 16 : i32
        %mul3A_204 = arith.muli %sub3A_150, %mul3A_203 : i32
        %add3A_205 = arith.constant 8192 : i32
        %add3A_206 = arith.addi %add3A_205, %mul3A_204 : i32
        %get3A_207 = arith.index_cast %add3A_206 : i32 to index
        %get3A_208 = tpu.vector_load %arg5[%get3A_207] {strides = array<i32>} : memref<32768xi32, #tpu.memory_space<vmem>>, vector<16xi32>,
        %add3A_209 = arith.addi %add3A_202, %get3A_208 : vector<16xi32>
        %mul3A_210 = arith.constant 16 : i32
        %mul3A_211 = arith.muli %sub3A_150, %mul3A_210 : i32
        %add3A_212 = arith.constant 9216 : i32
        %add3A_213 = arith.addi %add3A_212, %mul3A_211 : i32
        %get3A_214 = arith.index_cast %add3A_213 : i32 to index
        %get3A_215 = tpu.vector_load %arg5[%get3A_214] {strides = array<i32>} : memref<32768xi32, #tpu.memory_space<vmem>>, vector<16xi32>,
        %add3A_216 = arith.addi %add3A_209, %get3A_215 : vector<16xi32>
        %mul3A_217 = arith.constant 16 : i32
        %mul3A_218 = arith.muli %sub3A_150, %mul3A_217 : i32
        %add3A_219 = arith.constant 10240 : i32
        %add3A_220 = arith.addi %add3A_219, %mul3A_218 : i32
        %get3A_221 = arith.index_cast %add3A_220 : i32 to index
        %get3A_222 = tpu.vector_load %arg5[%get3A_221] {strides = array<i32>} : memref<32768xi32, #tpu.memory_space<vmem>>, vector<16xi32>,
        %add3A_223 = arith.addi %add3A_216, %get3A_222 : vector<16xi32>
        %mul3A_224 = arith.constant 16 : i32
        %mul3A_225 = arith.muli %sub3A_150, %mul3A_224 : i32
        %add3A_226 = arith.constant 11264 : i32
        %add3A_227 = arith.addi %add3A_226, %mul3A_225 : i32
        %get3A_228 = arith.index_cast %add3A_227 : i32 to index
        %get3A_229 = tpu.vector_load %arg5[%get3A_228] {strides = array<i32>} : memref<32768xi32, #tpu.memory_space<vmem>>, vector<16xi32>,
        %add3A_230 = arith.addi %add3A_223, %get3A_229 : vector<16xi32>
        %mul3A_231 = arith.constant 16 : i32
        %mul3A_232 = arith.muli %sub3A_150, %mul3A_231 : i32
        %add3A_233 = arith.constant 12288 : i32
        %add3A_234 = arith.addi %add3A_233, %mul3A_232 : i32
        %get3A_235 = arith.index_cast %add3A_234 : i32 to index
        %get3A_236 = tpu.vector_load %arg5[%get3A_235] {strides = array<i32>} : memref<32768xi32, #tpu.memory_space<vmem>>, vector<16xi32>,
        %add3A_237 = arith.addi %add3A_230, %get3A_236 : vector<16xi32>
        %mul3A_238 = arith.constant 16 : i32
        %mul3A_239 = arith.muli %sub3A_150, %mul3A_238 : i32
        %add3A_240 = arith.constant 13312 : i32
        %add3A_241 = arith.addi %add3A_240, %mul3A_239 : i32
        %get3A_242 = arith.index_cast %add3A_241 : i32 to index
        %get3A_243 = tpu.vector_load %arg5[%get3A_242] {strides = array<i32>} : memref<32768xi32, #tpu.memory_space<vmem>>, vector<16xi32>,
        %add3A_244 = arith.addi %add3A_237, %get3A_243 : vector<16xi32>
        %mul3A_245 = arith.constant 16 : i32
        %mul3A_246 = arith.muli %sub3A_150, %mul3A_245 : i32
        %add3A_247 = arith.constant 14336 : i32
        %add3A_248 = arith.addi %add3A_247, %mul3A_246 : i32
        %get3A_249 = arith.index_cast %add3A_248 : i32 to index
        %get3A_250 = tpu.vector_load %arg5[%get3A_249] {strides = array<i32>} : memref<32768xi32, #tpu.memory_space<vmem>>, vector<16xi32>,
        %add3A_251 = arith.addi %add3A_244, %get3A_250 : vector<16xi32>
        %mul3A_252 = arith.constant 16 : i32
        %mul3A_253 = arith.muli %sub3A_150, %mul3A_252 : i32
        %add3A_254 = arith.constant 15360 : i32
        %add3A_255 = arith.addi %add3A_254, %mul3A_253 : i32
        %get3A_256 = arith.index_cast %add3A_255 : i32 to index
        %get3A_257 = tpu.vector_load %arg5[%get3A_256] {strides = array<i32>} : memref<32768xi32, #tpu.memory_space<vmem>>, vector<16xi32>,
        %add3A_258 = arith.addi %add3A_251, %get3A_257 : vector<16xi32>
        %rev3A = arith.constant 15 : i32
        %rev3A_259 = vector.broadcast %rev3A : i32 to vector<16xi32>
        %rev3A_260 = tpu.iota {dimensions = array<i32: 0>} : vector<16xi32>
        %rev3A_261 = arith.subi %rev3A_259, %rev3A_260 : vector<16xi32>
        %rev3A_262 = tpu.dynamic_gather %add3A_258[%rev3A_261] in [0] : vector<16xi32>, vector<16xi32> -> vector<16xi32>
        %cumsum3A = arith.constant true
        %cumsum3A_263 = vector.broadcast %cumsum3A : i1 to vector<16xi1>
        %cumsum3A_264 = tpu.scan <sum>, %rev3A_262 masked %cumsum3A_263 : vector<16xi32>, vector<16xi1> -> vector<16xi32>
        %rev3A_265 = arith.constant 15 : i32
        %rev3A_266 = vector.broadcast %rev3A_265 : i32 to vector<16xi32>
        %rev3A_267 = tpu.iota {dimensions = array<i32: 0>} : vector<16xi32>
        %rev3A_268 = arith.subi %rev3A_266, %rev3A_267 : vector<16xi32>
        %rev3A_269 = tpu.dynamic_gather %cumsum3A_264[%rev3A_268] in [0] : vector<16xi32>, vector<16xi32> -> vector<16xi32>
        %add3A_270 = vector.broadcast %scan3A_147 : i32 to vector<16xi32>
        %add3A_271 = arith.addi %rev3A_269, %add3A_270 : vector<16xi32>
        %mul3A_272 = arith.constant 16 : i32
        %mul3A_273 = arith.muli %sub3A_150, %mul3A_272 : i32
        %swap3A = arith.index_cast %mul3A_273 : i32 to index
        %swap3A_274 = tpu.vector_load %arg6[%swap3A] {strides = array<i32>} : memref<2048xi32, #tpu.memory_space<vmem>>, vector<16xi32>,
        tpu.vector_store %arg6[%swap3A], %add3A_271 {strides = array<i32>} : memref<2048xi32, #tpu.memory_space<vmem>>, vector<16xi32>,
        %add3A_275 = vector.broadcast %add3A_51 : i32 to vector<16xi32>
        %add3A_276 = arith.addi %add3A_275, %add3A_271 : vector<16xi32>
        %ge3A = arith.constant 10035 : i32
        %ge3A_277 = vector.broadcast %ge3A : i32 to vector<16xi32>
        %ge3A_278 = arith.cmpi sge, %add3A_276, %ge3A_277 : vector<16xi32>
        %convert_element_type3A = arith.extui %ge3A_278 : vector<16xi1> to vector<16xi32>
        %add3A_279 = arith.addi %scan3A_148, %convert_element_type3A : vector<16xi32>
        %reduce_sum3A_280 = arith.constant true
        %reduce_sum3A_281 = vector.broadcast %reduce_sum3A_280 : i1 to vector<16xi1>
        %reduce_sum3A_282 = tpu.scan <sum>, %add3A_258 masked %reduce_sum3A_281 : vector<16xi32>, vector<16xi1> -> vector<16xi32>
        %reduce_sum3A_283 = vector.extract %reduce_sum3A_282[15] : i32 from vector<16xi32>
        %add3A_284 = arith.addi %scan3A_147, %reduce_sum3A_283 : i32
        scf.yield %add3A_284, %add3A_279 : i32, vector<16xi32>
      }
      %scan3A_77 = arith.constant 64 : i32
      %reduce_sum3A_78 = arith.constant true
      %reduce_sum3A_79 = vector.broadcast %reduce_sum3A_78 : i1 to vector<16xi1>
      %reduce_sum3A_80 = tpu.scan <sum>, %scan3A_76#1 masked %reduce_sum3A_79 : vector<16xi32>, vector<16xi1> -> vector<16xi32>
      %reduce_sum3A_81 = vector.extract %reduce_sum3A_80[15] : i32 from vector<16xi32>
      %sub3A_82 = arith.constant 1 : i32
      %sub3A_83 = arith.subi %reduce_sum3A_81, %sub3A_82 : i32
      %scan3A_84 = arith.constant 0 : i32
      %scan3A_85 = arith.constant 64 : i32
      %scan3A_86 = arith.addi %scan3A_84, %scan3A_85 : i32
      %scan3A_87 = arith.constant 1 : i32
      %scan3A_88 = scf.for %scan3A_146 = %scan3A_84 to %scan3A_86 step %scan3A_87 iter_args(%scan3A_147 = %broadcast_in_dim3A_3) -> (vector<16xi32>)  : i32 {
        %iota3A_148 = tpu.iota {dimensions = array<i32: 0>} : vector<16xi32>
        %mul3A_149 = arith.constant 16 : i32
        %mul3A_150 = arith.muli %scan3A_146, %mul3A_149 : i32
        %add3A_151 = vector.broadcast %mul3A_150 : i32 to vector<16xi32>
        %add3A_152 = arith.addi %iota3A_148, %add3A_151 : vector<16xi32>
        %mul3A_153 = arith.constant 16 : i32
        %mul3A_154 = arith.muli %scan3A_146, %mul3A_153 : i32
        %get3A = arith.index_cast %mul3A_154 : i32 to index
        %get3A_155 = tpu.vector_load %arg6[%get3A] {strides = array<i32>} : memref<2048xi32, #tpu.memory_space<vmem>>, vector<16xi32>,
        %add3A_156 = arith.constant 1 : i32
        %add3A_157 = arith.addi %sub3A_83, %add3A_156 : i32
        %eq3A = vector.broadcast %add3A_157 : i32 to vector<16xi32>
        %eq3A_158 = arith.cmpi eq, %add3A_152, %eq3A : vector<16xi32>
        %jit3A = arith.constant 0 : i32
        %broadcast_in_dim3A_159 = vector.broadcast %jit3A : i32 to vector<16xi32>
        %select_n3A = arith.select %eq3A_158, %get3A_155, %broadcast_in_dim3A_159 : vector<16xi1>, vector<16xi32>
        %add3A_160 = arith.addi %scan3A_147, %select_n3A : vector<16xi32>
        scf.yield %add3A_160 : vector<16xi32>
      }
      %scan3A_89 = arith.constant 64 : i32
      %reduce_sum3A_90 = arith.constant true
      %reduce_sum3A_91 = vector.broadcast %reduce_sum3A_90 : i1 to vector<16xi1>
      %reduce_sum3A_92 = tpu.scan <sum>, %scan3A_88 masked %reduce_sum3A_91 : vector<16xi32>, vector<16xi1> -> vector<16xi32>
      %reduce_sum3A_93 = vector.extract %reduce_sum3A_92[15] : i32 from vector<16xi32>
      %add3A_94 = arith.addi %add3A_51, %reduce_sum3A_93 : i32
      %mul3A_95 = arith.constant 1024 : i32
      %mul3A_96 = arith.muli %add3A_55, %mul3A_95 : i32
      %add3A_97 = arith.addi %mul3A_96, %sub3A_83 : i32
      %scan3A_98 = arith.constant 0 : i32
      %scan3A_99 = arith.constant 0 : i32
      %scan3A_100 = arith.constant 2048 : i32
      %scan3A_101 = arith.addi %scan3A_99, %scan3A_100 : i32
      %scan3A_102 = arith.constant 1 : i32
      scf.for %scan3A_146 = %scan3A_99 to %scan3A_101 step %scan3A_102  : i32 {
        %mul3A_147 = arith.constant 16 : i32
        %mul3A_148 = arith.muli %scan3A_146, %mul3A_147 : i32
        %swap3A = arith.index_cast %mul3A_148 : i32 to index
        %swap3A_149 = tpu.vector_load %arg5[%swap3A] {strides = array<i32>} : memref<32768xi32, #tpu.memory_space<vmem>>, vector<16xi32>,
        tpu.vector_store %arg5[%swap3A], %broadcast_in_dim3A_3 {strides = array<i32>} : memref<32768xi32, #tpu.memory_space<vmem>>, vector<16xi32>,
      }
      %scan3A_103 = arith.constant 2048 : i32
      %mul3A_104 = arith.constant 2048 : i32
      %mul3A_105 = vector.broadcast %mul3A_104 : i32 to vector<16xi32>
      %mul3A_106 = arith.muli %iota3A, %mul3A_105 : vector<16xi32>
      %scan3A_107 = arith.constant 0 : i32
      %scan3A_108 = arith.constant 0 : i32
      %scan3A_109 = arith.constant 3136 : i32
      %scan3A_110 = arith.addi %scan3A_108, %scan3A_109 : i32
      %scan3A_111 = arith.constant 1 : i32
      scf.for %scan3A_146 = %scan3A_108 to %scan3A_110 step %scan3A_111  : i32 {
        %mul3A_147 = arith.constant 16 : i32
        %mul3A_148 = arith.muli %scan3A_146, %mul3A_147 : i32
        %get3A = arith.index_cast %mul3A_148 : i32 to index
        %get3A_149 = tpu.vector_load %arg4[%get3A] {strides = array<i32>} : memref<50176xf32, #tpu.memory_space<vmem>>, vector<16xf32>,
        %bitcast_convert_type3A = tpu.bitcast %get3A_149 : vector<16xf32> -> vector<16xi32>
        %and3A = arith.constant 2147483647 : i32
        %and3A_150 = vector.broadcast %and3A : i32 to vector<16xi32>
        %and3A_151 = arith.andi %bitcast_convert_type3A, %and3A_150 : vector<16xi32>
        %shift_right_arithmetic3A = arith.constant 0 : i32
        %shift_right_arithmetic3A_152 = vector.broadcast %shift_right_arithmetic3A : i32 to vector<16xi32>
        %shift_right_arithmetic3A_153 = arith.shrsi %and3A_151, %shift_right_arithmetic3A_152 : vector<16xi32>
        %and3A_154 = arith.constant 2047 : i32
        %and3A_155 = vector.broadcast %and3A_154 : i32 to vector<16xi32>
        %and3A_156 = arith.andi %shift_right_arithmetic3A_153, %and3A_155 : vector<16xi32>
        %add3A_157 = arith.addi %mul3A_106, %and3A_156 : vector<16xi32>
        %shift_right_arithmetic3A_158 = arith.constant 11 : i32
        %shift_right_arithmetic3A_159 = vector.broadcast %shift_right_arithmetic3A_158 : i32 to vector<16xi32>
        %shift_right_arithmetic3A_160 = arith.shrsi %and3A_151, %shift_right_arithmetic3A_159 : vector<16xi32>
        %eq3A = vector.broadcast %add3A_97 : i32 to vector<16xi32>
        %eq3A_161 = arith.cmpi eq, %shift_right_arithmetic3A_160, %eq3A : vector<16xi32>
        tpu.vector_store_idx %arg5[%add3A_157], %broadcast_in_dim3A_1 masked %eq3A_161 {add = true} : memref<32768xi32, #tpu.memory_space<vmem>>[vector<16xi32>], vector<16xi32>, vector<16xi1>
      }
      %scan3A_112 = arith.constant 3136 : i32
      %scan3A_113 = arith.constant 0 : i32
      %scan3A_114 = arith.constant 0 : i32
      %scan3A_115 = arith.constant 128 : i32
      %scan3A_116 = arith.addi %scan3A_114, %scan3A_115 : i32
      %scan3A_117 = arith.constant 1 : i32
      %scan3A_118:2 = scf.for %scan3A_146 = %scan3A_114 to %scan3A_116 step %scan3A_117 iter_args(%scan3A_147 = %scan3A_113, %scan3A_148 = %broadcast_in_dim3A_3) -> (i32, vector<16xi32>)  : i32 {
        %sub3A_149 = arith.constant 127 : i32
        %sub3A_150 = arith.subi %sub3A_149, %scan3A_146 : i32
        %mul3A_151 = arith.constant 16 : i32
        %mul3A_152 = arith.muli %sub3A_150, %mul3A_151 : i32
        %get3A = arith.index_cast %mul3A_152 : i32 to index
        %get3A_153 = tpu.vector_load %arg5[%get3A] {strides = array<i32>} : memref<32768xi32, #tpu.memory_space<vmem>>, vector<16xi32>,
        %mul3A_154 = arith.constant 16 : i32
        %mul3A_155 = arith.muli %sub3A_150, %mul3A_154 : i32
        %add3A_156 = arith.constant 2048 : i32
        %add3A_157 = arith.addi %add3A_156, %mul3A_155 : i32
        %get3A_158 = arith.index_cast %add3A_157 : i32 to index
        %get3A_159 = tpu.vector_load %arg5[%get3A_158] {strides = array<i32>} : memref<32768xi32, #tpu.memory_space<vmem>>, vector<16xi32>,
        %add3A_160 = arith.addi %get3A_153, %get3A_159 : vector<16xi32>
        %mul3A_161 = arith.constant 16 : i32
        %mul3A_162 = arith.muli %sub3A_150, %mul3A_161 : i32
        %add3A_163 = arith.constant 4096 : i32
        %add3A_164 = arith.addi %add3A_163, %mul3A_162 : i32
        %get3A_165 = arith.index_cast %add3A_164 : i32 to index
        %get3A_166 = tpu.vector_load %arg5[%get3A_165] {strides = array<i32>} : memref<32768xi32, #tpu.memory_space<vmem>>, vector<16xi32>,
        %add3A_167 = arith.addi %add3A_160, %get3A_166 : vector<16xi32>
        %mul3A_168 = arith.constant 16 : i32
        %mul3A_169 = arith.muli %sub3A_150, %mul3A_168 : i32
        %add3A_170 = arith.constant 6144 : i32
        %add3A_171 = arith.addi %add3A_170, %mul3A_169 : i32
        %get3A_172 = arith.index_cast %add3A_171 : i32 to index
        %get3A_173 = tpu.vector_load %arg5[%get3A_172] {strides = array<i32>} : memref<32768xi32, #tpu.memory_space<vmem>>, vector<16xi32>,
        %add3A_174 = arith.addi %add3A_167, %get3A_173 : vector<16xi32>
        %mul3A_175 = arith.constant 16 : i32
        %mul3A_176 = arith.muli %sub3A_150, %mul3A_175 : i32
        %add3A_177 = arith.constant 8192 : i32
        %add3A_178 = arith.addi %add3A_177, %mul3A_176 : i32
        %get3A_179 = arith.index_cast %add3A_178 : i32 to index
        %get3A_180 = tpu.vector_load %arg5[%get3A_179] {strides = array<i32>} : memref<32768xi32, #tpu.memory_space<vmem>>, vector<16xi32>,
        %add3A_181 = arith.addi %add3A_174, %get3A_180 : vector<16xi32>
        %mul3A_182 = arith.constant 16 : i32
        %mul3A_183 = arith.muli %sub3A_150, %mul3A_182 : i32
        %add3A_184 = arith.constant 10240 : i32
        %add3A_185 = arith.addi %add3A_184, %mul3A_183 : i32
        %get3A_186 = arith.index_cast %add3A_185 : i32 to index
        %get3A_187 = tpu.vector_load %arg5[%get3A_186] {strides = array<i32>} : memref<32768xi32, #tpu.memory_space<vmem>>, vector<16xi32>,
        %add3A_188 = arith.addi %add3A_181, %get3A_187 : vector<16xi32>
        %mul3A_189 = arith.constant 16 : i32
        %mul3A_190 = arith.muli %sub3A_150, %mul3A_189 : i32
        %add3A_191 = arith.constant 12288 : i32
        %add3A_192 = arith.addi %add3A_191, %mul3A_190 : i32
        %get3A_193 = arith.index_cast %add3A_192 : i32 to index
        %get3A_194 = tpu.vector_load %arg5[%get3A_193] {strides = array<i32>} : memref<32768xi32, #tpu.memory_space<vmem>>, vector<16xi32>,
        %add3A_195 = arith.addi %add3A_188, %get3A_194 : vector<16xi32>
        %mul3A_196 = arith.constant 16 : i32
        %mul3A_197 = arith.muli %sub3A_150, %mul3A_196 : i32
        %add3A_198 = arith.constant 14336 : i32
        %add3A_199 = arith.addi %add3A_198, %mul3A_197 : i32
        %get3A_200 = arith.index_cast %add3A_199 : i32 to index
        %get3A_201 = tpu.vector_load %arg5[%get3A_200] {strides = array<i32>} : memref<32768xi32, #tpu.memory_space<vmem>>, vector<16xi32>,
        %add3A_202 = arith.addi %add3A_195, %get3A_201 : vector<16xi32>
        %mul3A_203 = arith.constant 16 : i32
        %mul3A_204 = arith.muli %sub3A_150, %mul3A_203 : i32
        %add3A_205 = arith.constant 16384 : i32
        %add3A_206 = arith.addi %add3A_205, %mul3A_204 : i32
        %get3A_207 = arith.index_cast %add3A_206 : i32 to index
        %get3A_208 = tpu.vector_load %arg5[%get3A_207] {strides = array<i32>} : memref<32768xi32, #tpu.memory_space<vmem>>, vector<16xi32>,
        %add3A_209 = arith.addi %add3A_202, %get3A_208 : vector<16xi32>
        %mul3A_210 = arith.constant 16 : i32
        %mul3A_211 = arith.muli %sub3A_150, %mul3A_210 : i32
        %add3A_212 = arith.constant 18432 : i32
        %add3A_213 = arith.addi %add3A_212, %mul3A_211 : i32
        %get3A_214 = arith.index_cast %add3A_213 : i32 to index
        %get3A_215 = tpu.vector_load %arg5[%get3A_214] {strides = array<i32>} : memref<32768xi32, #tpu.memory_space<vmem>>, vector<16xi32>,
        %add3A_216 = arith.addi %add3A_209, %get3A_215 : vector<16xi32>
        %mul3A_217 = arith.constant 16 : i32
        %mul3A_218 = arith.muli %sub3A_150, %mul3A_217 : i32
        %add3A_219 = arith.constant 20480 : i32
        %add3A_220 = arith.addi %add3A_219, %mul3A_218 : i32
        %get3A_221 = arith.index_cast %add3A_220 : i32 to index
        %get3A_222 = tpu.vector_load %arg5[%get3A_221] {strides = array<i32>} : memref<32768xi32, #tpu.memory_space<vmem>>, vector<16xi32>,
        %add3A_223 = arith.addi %add3A_216, %get3A_222 : vector<16xi32>
        %mul3A_224 = arith.constant 16 : i32
        %mul3A_225 = arith.muli %sub3A_150, %mul3A_224 : i32
        %add3A_226 = arith.constant 22528 : i32
        %add3A_227 = arith.addi %add3A_226, %mul3A_225 : i32
        %get3A_228 = arith.index_cast %add3A_227 : i32 to index
        %get3A_229 = tpu.vector_load %arg5[%get3A_228] {strides = array<i32>} : memref<32768xi32, #tpu.memory_space<vmem>>, vector<16xi32>,
        %add3A_230 = arith.addi %add3A_223, %get3A_229 : vector<16xi32>
        %mul3A_231 = arith.constant 16 : i32
        %mul3A_232 = arith.muli %sub3A_150, %mul3A_231 : i32
        %add3A_233 = arith.constant 24576 : i32
        %add3A_234 = arith.addi %add3A_233, %mul3A_232 : i32
        %get3A_235 = arith.index_cast %add3A_234 : i32 to index
        %get3A_236 = tpu.vector_load %arg5[%get3A_235] {strides = array<i32>} : memref<32768xi32, #tpu.memory_space<vmem>>, vector<16xi32>,
        %add3A_237 = arith.addi %add3A_230, %get3A_236 : vector<16xi32>
        %mul3A_238 = arith.constant 16 : i32
        %mul3A_239 = arith.muli %sub3A_150, %mul3A_238 : i32
        %add3A_240 = arith.constant 26624 : i32
        %add3A_241 = arith.addi %add3A_240, %mul3A_239 : i32
        %get3A_242 = arith.index_cast %add3A_241 : i32 to index
        %get3A_243 = tpu.vector_load %arg5[%get3A_242] {strides = array<i32>} : memref<32768xi32, #tpu.memory_space<vmem>>, vector<16xi32>,
        %add3A_244 = arith.addi %add3A_237, %get3A_243 : vector<16xi32>
        %mul3A_245 = arith.constant 16 : i32
        %mul3A_246 = arith.muli %sub3A_150, %mul3A_245 : i32
        %add3A_247 = arith.constant 28672 : i32
        %add3A_248 = arith.addi %add3A_247, %mul3A_246 : i32
        %get3A_249 = arith.index_cast %add3A_248 : i32 to index
        %get3A_250 = tpu.vector_load %arg5[%get3A_249] {strides = array<i32>} : memref<32768xi32, #tpu.memory_space<vmem>>, vector<16xi32>,
        %add3A_251 = arith.addi %add3A_244, %get3A_250 : vector<16xi32>
        %mul3A_252 = arith.constant 16 : i32
        %mul3A_253 = arith.muli %sub3A_150, %mul3A_252 : i32
        %add3A_254 = arith.constant 30720 : i32
        %add3A_255 = arith.addi %add3A_254, %mul3A_253 : i32
        %get3A_256 = arith.index_cast %add3A_255 : i32 to index
        %get3A_257 = tpu.vector_load %arg5[%get3A_256] {strides = array<i32>} : memref<32768xi32, #tpu.memory_space<vmem>>, vector<16xi32>,
        %add3A_258 = arith.addi %add3A_251, %get3A_257 : vector<16xi32>
        %rev3A = arith.constant 15 : i32
        %rev3A_259 = vector.broadcast %rev3A : i32 to vector<16xi32>
        %rev3A_260 = tpu.iota {dimensions = array<i32: 0>} : vector<16xi32>
        %rev3A_261 = arith.subi %rev3A_259, %rev3A_260 : vector<16xi32>
        %rev3A_262 = tpu.dynamic_gather %add3A_258[%rev3A_261] in [0] : vector<16xi32>, vector<16xi32> -> vector<16xi32>
        %cumsum3A = arith.constant true
        %cumsum3A_263 = vector.broadcast %cumsum3A : i1 to vector<16xi1>
        %cumsum3A_264 = tpu.scan <sum>, %rev3A_262 masked %cumsum3A_263 : vector<16xi32>, vector<16xi1> -> vector<16xi32>
        %rev3A_265 = arith.constant 15 : i32
        %rev3A_266 = vector.broadcast %rev3A_265 : i32 to vector<16xi32>
        %rev3A_267 = tpu.iota {dimensions = array<i32: 0>} : vector<16xi32>
        %rev3A_268 = arith.subi %rev3A_266, %rev3A_267 : vector<16xi32>
        %rev3A_269 = tpu.dynamic_gather %cumsum3A_264[%rev3A_268] in [0] : vector<16xi32>, vector<16xi32> -> vector<16xi32>
        %add3A_270 = vector.broadcast %scan3A_147 : i32 to vector<16xi32>
        %add3A_271 = arith.addi %rev3A_269, %add3A_270 : vector<16xi32>
        %mul3A_272 = arith.constant 16 : i32
        %mul3A_273 = arith.muli %sub3A_150, %mul3A_272 : i32
        %swap3A = arith.index_cast %mul3A_273 : i32 to index
        %swap3A_274 = tpu.vector_load %arg6[%swap3A] {strides = array<i32>} : memref<2048xi32, #tpu.memory_space<vmem>>, vector<16xi32>,
        tpu.vector_store %arg6[%swap3A], %add3A_271 {strides = array<i32>} : memref<2048xi32, #tpu.memory_space<vmem>>, vector<16xi32>,
        %add3A_275 = vector.broadcast %add3A_94 : i32 to vector<16xi32>
        %add3A_276 = arith.addi %add3A_275, %add3A_271 : vector<16xi32>
        %ge3A = arith.constant 10035 : i32
        %ge3A_277 = vector.broadcast %ge3A : i32 to vector<16xi32>
        %ge3A_278 = arith.cmpi sge, %add3A_276, %ge3A_277 : vector<16xi32>
        %convert_element_type3A = arith.extui %ge3A_278 : vector<16xi1> to vector<16xi32>
        %add3A_279 = arith.addi %scan3A_148, %convert_element_type3A : vector<16xi32>
        %reduce_sum3A_280 = arith.constant true
        %reduce_sum3A_281 = vector.broadcast %reduce_sum3A_280 : i1 to vector<16xi1>
        %reduce_sum3A_282 = tpu.scan <sum>, %add3A_258 masked %reduce_sum3A_281 : vector<16xi32>, vector<16xi1> -> vector<16xi32>
        %reduce_sum3A_283 = vector.extract %reduce_sum3A_282[15] : i32 from vector<16xi32>
        %add3A_284 = arith.addi %scan3A_147, %reduce_sum3A_283 : i32
        scf.yield %add3A_284, %add3A_279 : i32, vector<16xi32>
      }
      %scan3A_119 = arith.constant 128 : i32
      %reduce_sum3A_120 = arith.constant true
      %reduce_sum3A_121 = vector.broadcast %reduce_sum3A_120 : i1 to vector<16xi1>
      %reduce_sum3A_122 = tpu.scan <sum>, %scan3A_118#1 masked %reduce_sum3A_121 : vector<16xi32>, vector<16xi1> -> vector<16xi32>
      %reduce_sum3A_123 = vector.extract %reduce_sum3A_122[15] : i32 from vector<16xi32>
      %sub3A_124 = arith.constant 1 : i32
      %sub3A_125 = arith.subi %reduce_sum3A_123, %sub3A_124 : i32
      %scan3A_126 = arith.constant 0 : i32
      %scan3A_127 = arith.constant 128 : i32
      %scan3A_128 = arith.addi %scan3A_126, %scan3A_127 : i32
      %scan3A_129 = arith.constant 1 : i32
      %scan3A_130 = scf.for %scan3A_146 = %scan3A_126 to %scan3A_128 step %scan3A_129 iter_args(%scan3A_147 = %broadcast_in_dim3A_3) -> (vector<16xi32>)  : i32 {
        %iota3A_148 = tpu.iota {dimensions = array<i32: 0>} : vector<16xi32>
        %mul3A_149 = arith.constant 16 : i32
        %mul3A_150 = arith.muli %scan3A_146, %mul3A_149 : i32
        %add3A_151 = vector.broadcast %mul3A_150 : i32 to vector<16xi32>
        %add3A_152 = arith.addi %iota3A_148, %add3A_151 : vector<16xi32>
        %mul3A_153 = arith.constant 16 : i32
        %mul3A_154 = arith.muli %scan3A_146, %mul3A_153 : i32
        %get3A = arith.index_cast %mul3A_154 : i32 to index
        %get3A_155 = tpu.vector_load %arg6[%get3A] {strides = array<i32>} : memref<2048xi32, #tpu.memory_space<vmem>>, vector<16xi32>,
        %add3A_156 = arith.constant 1 : i32
        %add3A_157 = arith.addi %sub3A_125, %add3A_156 : i32
        %eq3A = vector.broadcast %add3A_157 : i32 to vector<16xi32>
        %eq3A_158 = arith.cmpi eq, %add3A_152, %eq3A : vector<16xi32>
        %jit3A = arith.constant 0 : i32
        %broadcast_in_dim3A_159 = vector.broadcast %jit3A : i32 to vector<16xi32>
        %select_n3A = arith.select %eq3A_158, %get3A_155, %broadcast_in_dim3A_159 : vector<16xi1>, vector<16xi32>
        %add3A_160 = arith.addi %scan3A_147, %select_n3A : vector<16xi32>
        scf.yield %add3A_160 : vector<16xi32>
      }
      %scan3A_131 = arith.constant 128 : i32
      %reduce_sum3A_132 = arith.constant true
      %reduce_sum3A_133 = vector.broadcast %reduce_sum3A_132 : i1 to vector<16xi1>
      %reduce_sum3A_134 = tpu.scan <sum>, %scan3A_130 masked %reduce_sum3A_133 : vector<16xi32>, vector<16xi1> -> vector<16xi32>
      %reduce_sum3A_135 = vector.extract %reduce_sum3A_134[15] : i32 from vector<16xi32>
      %add3A_136 = arith.addi %add3A_94, %reduce_sum3A_135 : i32
      %mul3A_137 = arith.constant 2048 : i32
      %mul3A_138 = arith.muli %add3A_97, %mul3A_137 : i32
      %add3A_139 = arith.addi %mul3A_138, %sub3A_125 : i32
      %scan3A_140 = arith.constant 0 : i32
      %scan3A_141 = arith.constant 0 : i32
      %scan3A_142 = arith.constant 3136 : i32
      %scan3A_143 = arith.addi %scan3A_141, %scan3A_142 : i32
      %scan3A_144 = arith.constant 1 : i32
      scf.for %scan3A_146 = %scan3A_141 to %scan3A_143 step %scan3A_144  : i32 {
        %mul3A_147 = arith.constant 16 : i32
        %mul3A_148 = arith.muli %scan3A_146, %mul3A_147 : i32
        %get3A = arith.index_cast %mul3A_148 : i32 to index
        %get3A_149 = tpu.vector_load %arg4[%get3A] {strides = array<i32>} : memref<50176xf32, #tpu.memory_space<vmem>>, vector<16xf32>,
        %bitcast_convert_type3A = tpu.bitcast %get3A_149 : vector<16xf32> -> vector<16xi32>
        %and3A = arith.constant 2147483647 : i32
        %and3A_150 = vector.broadcast %and3A : i32 to vector<16xi32>
        %and3A_151 = arith.andi %bitcast_convert_type3A, %and3A_150 : vector<16xi32>
        %ge3A = vector.broadcast %add3A_139 : i32 to vector<16xi32>
        %ge3A_152 = arith.cmpi sge, %and3A_151, %ge3A : vector<16xi32>
        %jit3A = arith.constant 0.000000e+00 : f32
        %broadcast_in_dim3A_153 = vector.broadcast %jit3A : f32 to vector<16xf32>
        %select_n3A = arith.select %ge3A_152, %get3A_149, %broadcast_in_dim3A_153 : vector<16xi1>, vector<16xf32>
        %mul3A_154 = arith.constant 16 : i32
        %mul3A_155 = arith.muli %scan3A_146, %mul3A_154 : i32
        %swap3A = arith.index_cast %mul3A_155 : i32 to index
        %swap3A_156 = tpu.vector_load %arg4[%swap3A] {strides = array<i32>} : memref<50176xf32, #tpu.memory_space<vmem>>, vector<16xf32>,
        tpu.vector_store %arg4[%swap3A], %select_n3A {strides = array<i32>} : memref<50176xf32, #tpu.memory_space<vmem>>, vector<16xf32>,
      }
      %scan3A_145 = arith.constant 3136 : i32
      "tpu.region"() ({
        %run_scoped3A = tpu.sem_alloc : memref<!tpu.dma_semaphore, #tpu.memory_space<semaphore_mem>>
        %dma_start3A = arith.constant 0 : i32
        %dma_start3A_146 = tpu.memref_slice %arg3[%add3A_12, %dma_start3A] : memref<768x50176xf32, #tpu.memory_space<hbm>> -> memref<1x50176xf32, #tpu.memory_space<hbm>>
        %dma_start3A_147 = tpu.memref_squeeze %dma_start3A_146 : memref<1x50176xf32, #tpu.memory_space<hbm>> -> memref<50176xf32, #tpu.memory_space<hbm>>
        %dma_start3A_148 = arith.constant 0 : i32
        %dma_start3A_149 = tpu.memref_slice %arg3[%add3A_12, %dma_start3A_148] : memref<768x50176xf32, #tpu.memory_space<hbm>> -> memref<1x50176xf32, #tpu.memory_space<hbm>>
        %dma_start3A_150 = tpu.memref_squeeze %dma_start3A_149 : memref<1x50176xf32, #tpu.memory_space<hbm>> -> memref<50176xf32, #tpu.memory_space<hbm>>
        tpu.enqueue_dma source(%arg4 : memref<50176xf32, #tpu.memory_space<vmem>>) target(%dma_start3A_150 : memref<50176xf32, #tpu.memory_space<hbm>>) target_semaphore(%run_scoped3A : memref<!tpu.dma_semaphore, #tpu.memory_space<semaphore_mem>>)
        %dma_wait3A = arith.constant 0 : i32
        %dma_wait3A_151 = tpu.memref_slice %arg3[%add3A_12, %dma_wait3A] : memref<768x50176xf32, #tpu.memory_space<hbm>> -> memref<1x50176xf32, #tpu.memory_space<hbm>>
        %dma_wait3A_152 = tpu.memref_squeeze %dma_wait3A_151 : memref<1x50176xf32, #tpu.memory_space<hbm>> -> memref<50176xf32, #tpu.memory_space<hbm>>
        %dma_wait3A_153 = arith.constant 0 : i32
        %dma_wait3A_154 = tpu.memref_slice %arg3[%add3A_12, %dma_wait3A_153] : memref<768x50176xf32, #tpu.memory_space<hbm>> -> memref<1x50176xf32, #tpu.memory_space<hbm>>
        %dma_wait3A_155 = tpu.memref_squeeze %dma_wait3A_154 : memref<1x50176xf32, #tpu.memory_space<hbm>> -> memref<50176xf32, #tpu.memory_space<hbm>>
        tpu.wait_dma2 semaphore(%run_scoped3A : memref<!tpu.dma_semaphore, #tpu.memory_space<semaphore_mem>>) src(%arg4 : memref<50176xf32, #tpu.memory_space<vmem>>) dst(%dma_wait3A_155 : memref<50176xf32, #tpu.memory_space<hbm>>)
        tpu.yield
      }) : () -> ()
    }
    %scan3A_8 = arith.constant 24 : i32
    return
  }
}

</mosaic_0001>

<sc_bundles>
// kernel: kernel.3.cloned.1.call-start
scs
__scs_entry_jumppad:
0x0: {  	(pc) =	sbr.rel $0x88, $3  }
0x1: {  	(tag) =	ssettag $0x0;
	lr =	simm.s32 $0x1  }
0x2: {  	[smem:$0x3FA0] =	sst lr;
	_ =	strace $0xD0000000  }
0x3: {  	_ = 	snop  }
0x4: {  	_ = 	snop  }
0x5: {  	_ = 	snop  }
0x6: {  	_ = 	snop  }
0x7: {  	_ = 	snop  }
__scs_overlays_trampoline_lowered:
0x8: {  	[smem:$0x3FAF] =	sst s0  }
0x9: {  	[smem:$0x3FB0] =	sst s1  }
0xa: {  	[smem:$0x3FB1] =	sst s2  }
0xb: {  	[smem:$0x3FB2] =	sst s3  }
0xc: {  	[smem:$0x3FB3] =	sst s4  }
0xd: {  	[smem:$0x3FB4] =	sst s5  }
0xe: {  	[smem:$0x3FB5] =	sst s6  }
0xf: {  	[smem:$0x3FB6] =	sst s7  }
0x10: {  	[smem:$0x3FB7] =	sst s8  }
0x11: {  	[smem:$0x3FB8] =	sst s9;
	s0 =	simm.s32 @!p0 $0x0  }
0x12: {  	s1 =	sld [smem:$0x3F9E];
	s0 =	simm.s32 @p0 $0x1  }
0x13: {  	[smem:$0x3FB9] =	sst s0;
	s0 =	simm.s32 @!p1 $0x0  }
0x14: {  	s2 =	sld [smem:$0x3F9D];
	s0 =	simm.s32 @p1 $0x1  }
0x15: {  	[smem:$0x3FBA] =	sst s0;
	s0 =	simm.s32 @!p2 $0x0  }
0x16: {  	s3 =	sld [smem:$0x3FDB];
	s0 =	simm.s32 @p2 $0x1  }
0x17: {  	s4 =	simm.s32 $0x1BF5;
	[smem:$0x3FBC] =	sst s0  }
0x18: {  	s0 =	sld [smem:$0x3F9F];
	_ =	swait.ge [sflag:s4], $0x0  }
0x19: {  	s7 =	sld [smem:$0x3FA0]  }
0x1a: {  	s8 =	sadd.s32 $0xFFFFE003, lr  }
0x1b: {  	s9 =	sadd.s32 $0xFFFFFEF7, lr;
	s5 =	simm.s32 $0xFFFFFFFF;
	p2 =	slt.u32 s8, $0xFFFFF086  }
0x1c: {  	p1 =	slt.u32 s9, $0xF7A;
	s5 =	simm.s32 @!p2 $0x0  }
0x1d: {  	s5 =	simm.s32 @p1 $0x1;
	p0 =	seq.s32 s7, s2  }
0x1e: {  	s7 =	smul.u32 @!p0 $0xF7A, s2;
	p2 =	seq.s32 @!p0 s5, $0x0  }
0x1f: {  	s9 =	smul.u32 $0xF7A, s1;
	s8 =	simm.s32 @!p0 $0x1BF5;
	p2 =	por !p2, p0  }
0x20: {  	[sflag:s8] =	ssyncset.s32 @!p0 $0xFFFFF086;
	s6 =	sadd.s32 @!p0 s3, s7;
	s7 =	simm.s32 @!p0 $0x108  }
0x21: {  	s3 =	sadd.s32 s3, s9;
	s6 =	sadd.s32 @!p0 $0x88, s6;
	s7 =	simm.s32 @p2 $0x1082  }
0x22: {  	[simem:s7], [sflag:s8] =	dma.local @!p0 [hbm:s6], $0xF7A  }
0x23: {  	s9 =	sor.u32 $0xD0000000, s2;
	s6 =	simm.s32 $0x108;
	_ =	swait.ge @!p0 [sflag:s8], $0x0  }
0x24: {  	s3 =	sadd.s32 $0x88, s3;
	s6 =	simm.s32 @!p1 $0x1082;
	[sflag:s4] =	ssyncset.s32 $0xFFFFF086  }
0x25: {  	[simem:s6], [sflag:s4] =	dma.local [hbm:s3], $0xF7A  }
0x26: {  	[smem:$0x3FA0] =	sst s1;
	(tag) =	ssettag s2;
	_ =	strace s9  }
0x27: {  	s1 =	sld [smem:$0x3FB0]  }
0x28: {  	s2 =	sld [smem:$0x3FB1]  }
0x29: {  	s4 =	sld [smem:$0x3FB3]  }
0x2a: {  	p0 =	seq.s32 s5, $0x0;
	s5 =	sld [smem:$0x3FB4]  }
0x2b: {  	s6 =	sld [smem:$0x3FB5]  }
0x2c: {  	s7 =	sld [smem:$0x3FB6]  }
0x2d: {  	s3 =	simm.s32 $0x108;
	s8 =	sld [smem:$0x3FB7]  }
0x2e: {  	s3 =	simm.s32 @!p0 $0x1082;
	s9 =	sld [smem:$0x3FB8]  }
0x2f: {  	lr =	sadd.s32 s0, s3;
	s0 =	sld [smem:$0x3FAF]  }
0x30: {  	s3 =	sld [smem:$0x3FB2]  }
0x31: {  	[smem:$0x3FBB] =	sst s10  }
0x32: {  	s10 =	sld [smem:$0x3FB9];
	_ =	sdelay $0x3  }
0x33: {  	p0 =	seq.s32 s10, $0x1;
	s10 =	sld [smem:$0x3FBB];
	_ =	sdelay $0x3  }
0x34: {  	[smem:$0x3FBB] =	sst s10  }
0x35: {  	s10 =	sld [smem:$0x3FBA];
	_ =	sdelay $0x3  }
0x36: {  	p1 =	seq.s32 s10, $0x1;
	s10 =	sld [smem:$0x3FBB];
	_ =	sdelay $0x3  }
0x37: {  	[smem:$0x3FBB] =	sst s10  }
0x38: {  	s10 =	sld [smem:$0x3FBC]  }
0x39: {  	_ = 	snop;
	(pc) =	sbr.ind lr, $3  }
0x3a: {  	_ = 	snop  }
0x3b: {  	_ = 	snop  }
0x3c: {  	p2 =	seq.s32 s10, $0x1;
	s10 =	sld [smem:$0x3FBB]  }
0x3d: {  	_ =	shalt  }
0x3e: {  	_ =	shalt  }
0x3f: {  	_ =	shalt  }
0x40: {  	_ =	shalt  }
0x41: {  	_ =	shalt  }
0x42: {  	_ =	shalt  }
0x43: {  	_ =	shalt  }
0x44: {  	_ =	shalt  }
0x45: {  	_ =	shalt  }
0x46: {  	_ =	shalt  }
0x47: {  	_ =	shalt  }
0x48: {  	_ =	shalt  }
0x49: {  	_ =	shalt  }
0x4a: {  	_ =	shalt  }
0x4b: {  	_ =	shalt  }
0x4c: {  	_ =	shalt  }
0x4d: {  	_ =	shalt  }
0x4e: {  	_ =	shalt  }
0x4f: {  	_ =	shalt  }
0x50: {  	_ =	shalt  }
0x51: {  	_ =	shalt  }
0x52: {  	_ =	shalt  }
0x53: {  	_ =	shalt  }
0x54: {  	_ =	shalt  }
0x55: {  	_ =	shalt  }
0x56: {  	_ =	shalt  }
0x57: {  	_ =	shalt  }
0x58: {  	_ =	shalt  }
0x59: {  	_ =	shalt  }
0x5a: {  	_ =	shalt  }
0x5b: {  	_ =	shalt  }
0x5c: {  	_ =	shalt  }
0x5d: {  	_ =	shalt  }
0x5e: {  	_ =	shalt  }
0x5f: {  	_ =	shalt  }
0x60: {  	_ =	shalt  }
0x61: {  	_ =	shalt  }
0x62: {  	_ =	shalt  }
0x63: {  	_ =	shalt  }
0x64: {  	_ =	shalt  }
0x65: {  	_ =	shalt  }
0x66: {  	_ =	shalt  }
0x67: {  	_ =	shalt  }
0x68: {  	_ =	shalt  }
0x69: {  	_ =	shalt  }
0x6a: {  	_ =	shalt  }
0x6b: {  	_ =	shalt  }
0x6c: {  	_ =	shalt  }
0x6d: {  	_ =	shalt  }
0x6e: {  	_ =	shalt  }
0x6f: {  	_ =	shalt  }
0x70: {  	_ =	shalt  }
0x71: {  	_ =	shalt  }
0x72: {  	_ =	shalt  }
0x73: {  	_ =	shalt  }
0x74: {  	_ =	shalt  }
0x75: {  	_ =	shalt  }
0x76: {  	_ =	shalt  }
0x77: {  	_ =	shalt  }
0x78: {  	_ =	shalt  }
0x79: {  	_ =	shalt  }
0x7a: {  	_ =	shalt  }
0x7b: {  	_ =	shalt  }
0x7c: {  	_ =	shalt  }
0x7d: {  	_ =	shalt  }
0x7e: {  	_ =	shalt  }
0x7f: {  	_ =	shalt  }
0x80: {  	_ =	shalt  }
0x81: {  	_ =	shalt  }
0x82: {  	_ =	shalt  }
0x83: {  	_ =	shalt  }
0x84: {  	_ =	shalt  }
0x85: {  	_ =	shalt  }
0x86: {  	_ =	shalt  }
0x87: {  	_ =	shalt  }
.Lfunc_end0:
.L_simem_size_0:
called_computation_lowered:
.L_overlay_start_0:
0x88: {  	s2 =	sld [smem:$0x3FD9]  }
0x89: {  	s3 =	sld [smem:$0x3FFE];
	_ =	sdelay $0x1  }
0x8a: {  	s1 =	srdreg.scid  }
0x8b: {  	s0 =	sand.u32 $0x1, s1  }
0x8c: {  	s17 =	sshll.u32 s0, $0xA;
	s2 =	sadd.s32 s3, s2  }
0x8d: {  	s2 =	sadd.s32 s2, s17  }
0x8e: {  	[smem:$0x3FC7] =	sst s2  }
0x8f: {  	_ = 	snop  }
0x90: {  	s2 =	sld [smem:$0x3FD0];
	(tm) =	ssettm $0x1  }
0x91: {  	s18 =	sld [smem:$0x3FFB];
	_ =	sdelay $0x3  }
0x92: {  	_ =	strace s18  }
0x93: {  	s3 =	sld [smem:$0x3FFC];
	_ =	sdelay $0x3  }
0x94: {  	_ =	strace s3  }
0x95: {  	s3 =	sld [smem:$0x3FFD];
	_ =	sdelay $0x3  }
0x96: {  	_ =	strace s3  }
0x97: {  	_ =	strace $0x8FFFFFFF  }
0x98: {  	s19 =	sld [smem:$0x3FDB];
	_ =	sdelay $0x1  }
0x99: {  	s4 =	simm.s32 $_scs_section_size  }
0x9a: {  	s5 =	simm.s32 $_size__tile_overlayer_lowered;
	s6 =	simm.s32 $_tile_overlayer_lowered  }
0x9b: {  	s22 =	simm.s32 $0x1BFF;
	s21 =	sshll.u32 s6, $0x1;
	s3 =	sadd.s32 s4, s19  }
0x9c: {  	s7 =	simm.s32 $0x0;
	s20 =	sshll.u32 s5, $0x1;
	s5 =	sadd.s32 s21, s3  }
0x9d: {  	[timem:s7], [sflag:s22] =	dma.local [hbm:s5], s20  }
0x9e: {  	_ =	swait.ge [sflag:s22], s20  }
0x9f: {  	s4 =	ssub.s32 $0x0, s20;
	[sflag:s22] =	ssyncset.done $0x0  }
0xa0: {  	[sflag:s22] =	ssyncadd.s32 s4;
	_ =	sdelay $0x1  }
0xa1: {  	s23 =	simm.s32 $0x1B8B  }
0xa2: {  	_ =	swait.ge [sflag:s23], $0x1  }
0xa3: {  	[sflag:s23] =	ssyncset.done $0x0  }
0xa4: {  	s25 =	simm.s32 $0x1B8E;
	s24 =	sld [smem:$0x3FFE];
	[sflag:s23] =	ssyncadd.s32 $0xFFFFFFFF  }
0xa5: {  	s26 =	simm.s32 $execute0_lowered;
	[smem:$0x3FD2] =	sst s25  }
0xa6: {  	s5 =	sshll.u32 s26, $0x1;
	_ =	strace $0x80000046;
	[dreg:$0x1] =	wrdreg $0xFFFFFFFF  }
0xa7: {  	s28 =	simm.s32 $_size_execute0_lowered;
	s3 =	sadd.s32 s3, s5;
	[dreg:$0x0] =	wrdreg $0x0  }
0xa8: {  	s5 =	sshll.u32 s28, $0x1;
	[dreg:$0x2] =	wrdreg s3  }
0xa9: {  	[dreg:$0x3] =	wrdreg s5  }
0xaa: {  	[dreg:$0x4] =	wrdreg $0xC0  }
0xab: {  	_ =	task [dreg:s7], $0x5FFFF  }
0xac: {  	[dreg:$0x1] =	wrdreg $0xFFFFFFFF  }
0xad: {  	[dreg:$0x0] =	wrdreg $0x60  }
0xae: {  	[dreg:$0x2] =	wrdreg s2  }
0xaf: {  	[dreg:$0x3] =	wrdreg s24  }
0xb0: {  	[dreg:$0x4] =	wrdreg $0x9  }
0xb1: {  	_ =	task.clear_ibuf [dreg:s7], $0x5FFFF;
	_ =	strace $0x90000046  }
0xb2: {  	s29 =	simm.s32 $0x9;
	_ =	strace $0x80000048  }
0xb3: {  	_ =	swait.ge [sflag:s29], $0x1  }
0xb4: {  	[sflag:s29] =	ssyncadd.s32 $0xFFFFFFFF  }
0xb5: {  	_ =	strace $0x90000048  }
0xb6: {  	_ =	sfence  }
0xb7: {  	s30 =	sld [smem:$0x0];
	_ =	sdelay $0x2  }
0xb8: {  	s31 =	sshll.u32 s1, $0xD;
	s1 =	sshrl.u32 s1, $0x2  }
0xb9: {  	s3 =	sand.u32 $0x4000, s31;
	s1 =	sadd.s32 s1, s30  }
0xba: {  	s0 =	sor.u32 s3, s0;
	s1 =	sshll.u32 s1, $0x11  }
0xbb: {  	s0 =	sor.u32 s1, s0  }
0xbc: {  	s0 =	sadd.s32 $0x8F2B, s0  }
0xbd: {  	[sflag:s0] =	ssyncadd.remote.s32 $0x1  }
0xbe: {  	_ =	sfence.sel $0xFFFF  }
0xbf: {  	[dreg:$0x0] =	wrdreg $0xFFFFFFFF;
	(pc) =	sbr.abs _section_cstart, $3  }
0xc0: {  	[dreg:$0x1] =	wrdreg $0xFFFFFFFF  }
0xc1: {  	_ =	task.clear_ibuf [dreg:s7], $0x2FFFF;
	_ =	strace $0x9FFFFFFF  }
0xc2: {  	(tm) =	ssettm $0x7FFFFFFF  }
0xc3: {  	_ =	shalt  }
tec
execute0_lowered:
.L_overlay_start_1:
0x0: {  	(tag) =	ssettag $0x1  }
0x1: {  	s1 =	rddreg [dreg:$0x0]  }
0x2: {  	s4 =	rddreg [dreg:$0x1]  }
0x3: {  	s0 =	rddreg [dreg:$0x2];
	s5 =	srdreg.scid  }
0x4: {  	s3 =	simm.s32 $0x0;
	s2 =	stileid.u32;
	s9 =	simm.s32 $0x1  }
0x5: {  	s10 =	simm.s32 $0xC400;
	s11 =	simm.s32 $0x0;
	s5 =	sand.u32 $0x1, s5  }
0x6: {  	v0 =	vlaneseq.u32;
	[smem:$0x7FF] =	sst s3;
	s7 =	sshll.u32 s2, $0x1;
	s6 =	ssub.s32 $0x2, s5  }
0x7: {  	s4 =	sadd.s32 $0x400, s4;
	v4 =	vmul.u32 $0xFFFFFFFF, v0;
	_ =	strace $0x80000047;
	s8 =	sshrl.u32 s6, $0x1  }
0x8: {  	v1 =	vimm.s32 $0x0;
	v3 =	vimm.s32 $0x1;
	s5 =	sor.u32 s5, s7;
	s7 =	simm.s32 $0x80;
	s6 =	ssub.s32 s6, s8  }
0x9: {  	v2 =	vmul.u32 $0x400, v0;
	v5 =	vmul.u32 $0x800, v0;
	s5 =	smul.u32 $0x18, s5;
	v4 =	vadd.s32 $0xF, v4;
	s8 =	simm.s32 $0x400;
	s6 =	smax.u32 s6, $0x1  }
.LBB2_1:
0xa: {  	s12 =	simm.s32 $0x0  }
.LBB2_2:
0xb: {  	s13 =	sadd.s32 s5, s12  }
0xc: {  	s13 =	sshrl.u32 s13, $0x3  }
0xd: {  	s14 =	sshll.u32 s12, $0x7;
	s13 =	smul.u32 $0x62000, s13  }
0xe: {  	s14 =	sand.u32 $0x380, s14  }
0xf: {  	s13 =	sor.u32 s14, s13  }
0x10: {  	s13 =	sshrl.u32 s13, $0x3  }
0x11: {  	s14 =	simm.s32 $0x0;
	s15 =	sadd.s32 s1, s13  }
0x12: {  	[tilespmem:s14], [sflag:$0x1] =	stream.strided.gather [hbm4b:s15+s7], $0xC400, s8, s7, $0x38;
	[tilespmem:$0x14C00] =	vst v63  }
0x13: {  	_ =	swait.ge [sflag:s9], $0xC400  }
0x14: {  	[sflag:s9] =	ssyncset.done $0x0  }
0x15: {  	s16 =	simm.s32 $0x0;
	s15 =	simm.s32 $0x40;
	[sflag:s9] =	ssyncadd.s32 $0xFFFF3C00  }
.LBB2_3:
0x16: {  	p0 =	sne.s32 s15, $0xFFC0;
	[tilespmem:s16+$0xC400] =	vst v1;
	s16 =	smov.u32 s15;
	s15 =	sadd.s32 $0x40, s15  }
.Ltmp0:
0x17: {  	(pc) =	sbr.rel @p0 .LBB2_3-.Ltmp0, $2  }
0x18: {  	_ =	sdelay $0x2  }
0x19: {  	s16 =	sshra.s32 s16, $0x2  }
0x1a: {  	[tilespmem:s16+$0xC400] =	vst v1  }
.LBB2_5:
0x1b: {  	s15 =	sshra.s32 s14, $0x2  }
0x1c: {  	v6 =	vld [tilespmem:s15+$0x0];
	_ =	sdelay $0x4  }
0x1d: {  	v6 =	vshrl.u32 v6, $0x15  }
0x1e: {  	v6 =	vand.u32 $0x3FF, v6  }
0x1f: {  	p0 =	sne.s32 s14, $0x30FC0;
	v6 =	vor.u32 v2, v6  }
.Ltmp1:
0x20: {  	_ = 	snop;
	(pc) =	sbr.rel @p0 .LBB2_5-.Ltmp1, $2  }
0x21: {  	_ =	sdelay $0x2  }
0x22: {  	s14 =	sadd.s32 $0x40, s14;
	[tilespmem:v6+s10+$0x0] =	vst.idx.add.s32.msk $0xffff, v3  }
0x23: {  	s15 =	simm.s32 $0x0  }
0x24: {  	v6 =	vld [tilespmem:s15+$0xC7F0]  }
0x25: {  	v7 =	vld [tilespmem:s15+$0xCBF0]  }
0x26: {  	v8 =	vld [tilespmem:s15+$0xCFF0]  }
0x27: {  	v9 =	vld [tilespmem:s15+$0xD3F0]  }
0x28: {  	v10 =	vld [tilespmem:s15+$0xD7F0]  }
0x29: {  	v11 =	vld [tilespmem:s15+$0xDBF0]  }
0x2a: {  	v6 =	vadd.s32 v6, v7;
	v7 =	vld [tilespmem:s15+$0xDFF0]  }
0x2b: {  	v6 =	vadd.s32 v8, v6;
	v8 =	vld [tilespmem:s15+$0xE3F0]  }
0x2c: {  	v6 =	vadd.s32 v9, v6;
	v9 =	vld [tilespmem:s15+$0xE7F0]  }
0x2d: {  	v6 =	vadd.s32 v10, v6;
	v10 =	vld [tilespmem:s15+$0xEBF0]  }
0x2e: {  	v6 =	vadd.s32 v11, v6;
	v11 =	vld [tilespmem:s15+$0xEFF0]  }
0x2f: {  	v6 =	vadd.s32 v7, v6;
	v7 =	vld [tilespmem:s15+$0xF3F0]  }
0x30: {  	v6 =	vadd.s32 v8, v6;
	v8 =	vld [tilespmem:s15+$0xF7F0]  }
0x31: {  	v6 =	vadd.s32 v9, v6;
	v9 =	vld [tilespmem:s15+$0xFBF0]  }
0x32: {  	v6 =	vadd.s32 v10, v6;
	v10 =	vld [tilespmem:s15+$0xFFF0]  }
0x33: {  	s14 =	simm.s32 $0xFFFFFFF0;
	v6 =	vadd.s32 v11, v6;
	v11 =	vld [tilespmem:s15+$0x103F0]  }
0x34: {  	v12 =	vld [tilespmem:s14+$0xC7F0];
	v6 =	vadd.s32 v7, v6  }
0x35: {  	v7 =	vld [tilespmem:s14+$0xCBF0];
	v6 =	vadd.s32 v8, v6  }
0x36: {  	v8 =	vld [tilespmem:s14+$0xCFF0];
	v6 =	vadd.s32 v9, v6  }
0x37: {  	v9 =	vld [tilespmem:s14+$0xD3F0];
	v6 =	vadd.s32 v10, v6  }
0x38: {  	v10 =	vld [tilespmem:s14+$0xD7F0];
	v6 =	vadd.s32 v11, v6  }
0x39: {  	v11 =	vld [tilespmem:s14+$0xDBF0];
	v13 =	vperm.xlane v6, v4;
	(xrf0) =	vadd.scan.msk.s32 $0xffff, v6  }
0x3a: {  	v6 =	vadd.s32 v12, v7;
	v7 =	vld [tilespmem:s14+$0xDFF0]  }
0x3b: {  	v6 =	vadd.s32 v8, v6;
	v8 =	vld [tilespmem:s14+$0xE3F0];
	(xrf0) =	vadd.scan.msk.s32 $0xffff, v13  }
0x3c: {  	v6 =	vadd.s32 v9, v6;
	v9 =	vld [tilespmem:s14+$0xE7F0]  }
0x3d: {  	v12 =	vld [tilespmem:s14+$0xEBF0];
	v6 =	vadd.s32 v10, v6  }
0x3e: {  	v6 =	vadd.s32 v11, v6;
	v11 =	vld [tilespmem:s14+$0xEFF0]  }
0x3f: {  	v6 =	vadd.s32 v7, v6;
	v7 =	vld [tilespmem:s14+$0xF3F0];
	v13, _, _ =	vpop (xrf0)  }
0x40: {  	v10 =	vld [tilespmem:s14+$0xF7F0];
	v6 =	vadd.s32 v8, v6;
	(v2sf) =	vpush v13, $0xF  }
0x41: {  	v8 =	vld [tilespmem:s14+$0xFBF0];
	v6 =	vadd.s32 v9, v6;
	v14, _, _ =	vpop (xrf0)  }
0x42: {  	v9 =	vld [tilespmem:s14+$0xFFF0];
	v12 =	vadd.s32 v12, v6;
	v14 =	vperm.xlane v14, v4  }
0x43: {  	s16 =	simm.s32 $0x0;
	s17 =	simm.s32 $0xFFFFFFE0;
	v15 =	vadd.s32 v11, v12;
	v11 =	vld [tilespmem:s14+$0x103F0]  }
0x44: {  	s18 =	simm.s32 $0xFFFFFF40;
	v6 =	vimm.s32 $0x0;
	v12 =	vld [tilespmem:s17+$0xC7F0];
	v13 =	vadd.s32 v7, v15;
	v7 =	vadd.s32 s16, v14  }
.LBB2_7:
0x45: {  	p0 =	sne.s32 s18, $0xFFFFF040;
	v14 =	vld [tilespmem:s17+$0xCBF0];
	v10 =	vadd.s32 v10, v13;
	[tilespmem:s15+$0x147F0] =	vst v7;
	vm0 =	vgt.s32 v7, $0x2732;
	s15 =	smov.u32 s14;
	s14 =	smov.u32 s17  }
0x46: {  	v7 =	vld [tilespmem:s14+$0xCFF0];
	v8 =	vadd.s32 v8, v10;
	v10 =	vsel vm0, $0x1, v1  }
0x47: {  	v13 =	vld [tilespmem:s14+$0xD3F0];
	v8 =	vadd.s32 v9, v8;
	v6 =	vadd.s32 v10, v6  }
0x48: {  	v9 =	vld [tilespmem:s14+$0xD7F0];
	v8 =	vadd.s32 v11, v8  }
0x49: {  	v10 =	vld [tilespmem:s14+$0xDBF0];
	v11 =	vperm.xlane v8, v4;
	(xrf0) =	vadd.scan.msk.s32 $0xffff, v8  }
0x4a: {  	v8 =	vadd.s32 v12, v14;
	v12 =	vld [tilespmem:s14+$0xDFF0]  }
0x4b: {  	v7 =	vadd.s32 v7, v8;
	v8 =	vld [tilespmem:s14+$0xE3F0];
	(xrf0) =	vadd.scan.msk.s32 $0xffff, v11  }
0x4c: {  	v7 =	vadd.s32 v13, v7;
	v11 =	vld [tilespmem:s14+$0xE7F0]  }
0x4d: {  	v7 =	vadd.s32 v9, v7;
	v9 =	vld [tilespmem:s14+$0xEBF0]  }
0x4e: {  	v7 =	vadd.s32 v10, v7;
	v13 =	vld [tilespmem:s14+$0xEFF0]  }
0x4f: {  	v7 =	vadd.s32 v12, v7;
	v14 =	vld [tilespmem:s14+$0xF3F0];
	v12, _, _ =	vpop (xrf0);
	s17 =	spop (v2sf)  }
.Ltmp2:
0x50: {  	v7 =	vadd.s32 v8, v7;
	v10 =	vld [tilespmem:s14+$0xF7F0];
	(v2sf) =	vpush v12, $0xF;
	s16 =	sadd.s32 s16, s17;
	(pc) =	sbr.rel @p0 .LBB2_7-.Ltmp2, $4  }
0x51: {  	v7 =	vadd.s32 v11, v7;
	v8 =	vld [tilespmem:s14+$0xFBF0];
	v11, _, _ =	vpop (xrf0)  }
0x52: {  	v7 =	vadd.s32 v9, v7;
	v9 =	vld [tilespmem:s14+$0xFFF0];
	v15 =	vperm.xlane v11, v4  }
0x53: {  	s17 =	sshra.s32 s18, $0x2;
	v7 =	vadd.s32 v13, v7;
	v11 =	vld [tilespmem:s14+$0x103F0]  }
0x54: {  	s18 =	sadd.s32 $0xFFFFFFC0, s18;
	v12 =	vld [tilespmem:s17+$0xC7F0];
	v13 =	vadd.s32 v14, v7;
	v7 =	vadd.s32 s16, v15  }
0x55: {  	v14 =	vld [tilespmem:s17+$0xCBF0];
	[tilespmem:s15+$0x147F0] =	vst v7  }
0x56: {  	v15 =	vld [tilespmem:s17+$0xCFF0]  }
0x57: {  	v16 =	vld [tilespmem:s17+$0xD3F0]  }
0x58: {  	v10 =	vadd.s32 v10, v13;
	v56 =	vld [tilespmem:s17+$0xD7F0]  }
0x59: {  	v8 =	vadd.s32 v8, v10;
	v10 =	vld [tilespmem:s17+$0xDBF0]  }
0x5a: {  	v57 =	vld [tilespmem:s17+$0xDFF0];
	v8 =	vadd.s32 v9, v8;
	v9 =	vadd.s32 v12, v14  }
0x5b: {  	v8 =	vadd.s32 v11, v8;
	v11 =	vld [tilespmem:s17+$0xE3F0];
	v9 =	vadd.s32 v15, v9  }
0x5c: {  	v58 =	vld [tilespmem:s17+$0xE7F0];
	(xrf0) =	vadd.scan.msk.s32 $0xffff, v8;
	v9 =	vadd.s32 v16, v9  }
0x5d: {  	v59 =	vld [tilespmem:s17+$0xEBF0];
	v9 =	vadd.s32 v56, v9  }
0x5e: {  	v9 =	vadd.s32 v10, v9;
	v10 =	vld [tilespmem:s17+$0xEFF0]  }
0x5f: {  	v60 =	vld [tilespmem:s17+$0xF3F0];
	v9 =	vadd.s32 v57, v9  }
0x60: {  	v9 =	vadd.s32 v11, v9;
	v11 =	vld [tilespmem:s17+$0xF7F0]  }
0x61: {  	v61 =	vld [tilespmem:s17+$0xFBF0];
	v9 =	vadd.s32 v58, v9  }
0x62: {  	v63 =	vld [tilespmem:s17+$0xFFF0];
	v62, _, _ =	vpop (xrf0);
	v9 =	vadd.s32 v59, v9  }
0x63: {  	(v2sf) =	vpush v62, $0xF;
	v9 =	vadd.s32 v10, v9;
	v10 =	vld [tilespmem:s17+$0x103F0]  }
0x64: {  	v9 =	vadd.s32 v60, v9  }
0x65: {  	v9 =	vadd.s32 v11, v9  }
0x66: {  	v9 =	vadd.s32 v61, v9  }
0x67: {  	v8 =	vperm.xlane v8, v4;
	v9 =	vadd.s32 v63, v9  }
0x68: {  	v9 =	vadd.s32 v10, v9  }
0x69: {  	(xrf0) =	vadd.scan.msk.s32 $0xffff, v8;
	v8 =	vperm.xlane v9, v4  }
0x6a: {  	(xrf0) =	vadd.scan.msk.s32 $0xffff, v9  }
0x6b: {  	(xrf0) =	vadd.scan.msk.s32 $0xffff, v8;
	_ =	sdelay $0x3  }
0x6c: {  	v8, _, _ =	vpop (xrf0)  }
0x6d: {  	v9, _, _ =	vpop (xrf0)  }
0x6e: {  	s26 =	spop (v2sf);
	v8 =	vperm.xlane v8, v4;
	v10, _, _ =	vpop (xrf0)  }
0x6f: {  	s15 =	sadd.s32 s16, s26;
	s28 =	spop (v2sf);
	v10 =	vperm.xlane v10, v4  }
0x70: {  	vm0 =	vgt.s32 v7, $0x2732;
	v7 =	vadd.s32 s15, v8;
	(v2sf) =	vpush v9, $0xF;
	s15 =	sadd.s32 s15, s28  }
0x71: {  	v8 =	vsel vm0, $0x1, v1;
	vm13 =	vgt.s32 v7, $0x2732;
	v9 =	vadd.s32 s15, v10  }
0x72: {  	v6 =	vadd.s32 v8, v6;
	v8 =	vsel vm13, $0x1, v1;
	vm14 =	vgt.s32 v9, $0x2732  }
0x73: {  	v6 =	vadd.s32 v8, v6;
	v8 =	vsel vm14, $0x1, v1  }
0x74: {  	v6 =	vadd.s32 v8, v6  }
0x75: {  	(xrf0) =	vadd.scan.msk.s32 $0xffff, v6;
	_ =	sdelay $0x2  }
0x76: {  	[tilespmem:s14+$0x147F0] =	vst v7  }
0x77: {  	s29 =	simm.s32 $0x14400;
	[tilespmem:s17+$0x147F0] =	vst v9  }
0x78: {  	v9 =	vld [tilespmem:s29+$0x0]  }
0x79: {  	v7, _, _ =	vpop (xrf0)  }
0x7a: {  	s30 =	simm.s32 $0x0;
	v6 =	vbroadcast v7, $0xF  }
0x7b: {  	v8 =	vor.u32 s30, v0  }
0x7c: {  	vm15 =	veq.s32 v8, v6  }
0x7d: {  	s14 =	simm.s32 $0x10;
	s15 =	simm.s32 $0x14410;
	s31 =	spop (v2sf);
	v8 =	vimm.s32 $0x0;
	v9 =	vnsel vm15, $0x0, v9  }
.LBB2_9:
0x7e: {  	v10 =	vld [tilespmem:s15+$0x0];
	p0 =	seq.s32 s14, $0x3F0;
	v8 =	vadd.s32 v8, v9;
	s16 =	smov.u32 s14;
	s14 =	sadd.s32 $0x10, s14  }
.Ltmp3:
0x7f: {  	(pc) =	sbr.rel @!p0 .LBB2_9-.Ltmp3, $4  }
0x80: {  	_ = 	snop  }
0x81: {  	v9 =	vor.u32 s16, v0  }
0x82: {  	vm0 =	veq.s32 v9, v6  }
0x83: {  	s15 =	sadd.s32 $0x10, s15;
	v9 =	vnsel vm0, $0x0, v10  }
0x84: {  	v6 =	vadd.s32 v8, v9;
	s14 =	simm.s32 $0x40;
	s15 =	simm.s32 $0x0  }
.LBB2_11:
0x85: {  	p0 =	seq.s32 s14, $0xFFC0;
	[tilespmem:s15+$0xC400] =	vst v1;
	s15 =	smov.u32 s14;
	s14 =	sadd.s32 $0x40, s14  }
.Ltmp4:
0x86: {  	(pc) =	sbr.rel @!p0 .LBB2_11-.Ltmp4, $2  }
0x87: {  	_ =	sdelay $0x2  }
0x88: {  	s15 =	sshra.s32 s15, $0x2  }
0x89: {  	(v2sf) =	vpush v7, $0xF;
	_ =	sdelay $0xe  }
0x8a: {  	s14 =	spop (v2sf)  }
0x8b: {  	s14 =	sadd.s32 $0xFFFFFFFF, s14  }
0x8c: {  	[tilespmem:s15+$0xC400] =	vst v1;
	s16 =	simm.s32 $0x0;
	s15 =	simm.s32 $0x40;
	v7 =	vmov s14  }
.LBB2_13:
0x8d: {  	p0 =	seq.s32 s15, $0x30FC0;
	v8 =	vld [tilespmem:s16+$0x0];
	_ =	sdelay $0x4  }
0x8e: {  	v9 =	vshrl.u32 v8, $0x15  }
0x8f: {  	v8 =	vshrl.u32 v8, $0xB;
	v9 =	vand.u32 $0x3FF, v9  }
0x90: {  	v8 =	vand.u32 $0x3FF, v8;
	vm0 =	veq.s32 v9, v7  }
0x91: {  	v8 =	vor.u32 v2, v8  }
.Ltmp5:
0x92: {  	(pc) =	sbr.rel @!p0 .LBB2_13-.Ltmp5, $2  }
0x93: {  	_ =	sdelay $0x2  }
0x94: {  	s16 =	sshra.s32 s15, $0x2;
	s15 =	sadd.s32 $0x40, s15;
	[tilespmem:v8+s10+$0x0] =	vst.idx.add.s32.msk vm0, v3  }
0x95: {  	v8 =	vld [tilespmem:s16+$0x0];
	_ =	sdelay $0x4  }
0x96: {  	v9 =	vshrl.u32 v8, $0x15  }
0x97: {  	v8 =	vshrl.u32 v8, $0xB;
	v9 =	vand.u32 $0x3FF, v9  }
0x98: {  	vm0 =	veq.s32 v9, v7;
	v7 =	vand.u32 $0x3FF, v8  }
0x99: {  	v7 =	vor.u32 v2, v7;
	_ =	sdelay $0x4  }
0x9a: {  	s17 =	simm.s32 $0x0;
	[tilespmem:v7+s10+$0x0] =	vst.idx.add.s32.msk vm0, v3  }
0x9b: {  	v9 =	vld [tilespmem:s17+$0xC7F0]  }
0x9c: {  	v10 =	vld [tilespmem:s17+$0xCBF0]  }
0x9d: {  	v11 =	vld [tilespmem:s17+$0xCFF0]  }
0x9e: {  	v12 =	vld [tilespmem:s17+$0xD3F0]  }
0x9f: {  	v13 =	vld [tilespmem:s17+$0xD7F0]  }
0xa0: {  	v14 =	vld [tilespmem:s17+$0xDBF0]  }
0xa1: {  	v9 =	vadd.s32 v9, v10;
	v10 =	vld [tilespmem:s17+$0xDFF0]  }
0xa2: {  	v9 =	vadd.s32 v11, v9;
	v11 =	vld [tilespmem:s17+$0xE3F0]  }
0xa3: {  	v9 =	vadd.s32 v12, v9;
	v12 =	vld [tilespmem:s17+$0xE7F0]  }
0xa4: {  	v9 =	vadd.s32 v13, v9;
	v13 =	vld [tilespmem:s17+$0xEBF0]  }
0xa5: {  	v9 =	vadd.s32 v14, v9;
	v14 =	vld [tilespmem:s17+$0xEFF0]  }
0xa6: {  	v9 =	vadd.s32 v10, v9;
	v10 =	vld [tilespmem:s17+$0xF3F0]  }
0xa7: {  	v9 =	vadd.s32 v11, v9;
	v11 =	vld [tilespmem:s17+$0xF7F0]  }
0xa8: {  	v9 =	vadd.s32 v12, v9;
	v12 =	vld [tilespmem:s17+$0xFBF0]  }
0xa9: {  	v9 =	vadd.s32 v13, v9;
	v13 =	vld [tilespmem:s17+$0xFFF0]  }
0xaa: {  	(xrf0) =	vadd.scan.msk.s32 $0xffff, v6;
	s16 =	simm.s32 $0xFFFFFFF0;
	v9 =	vadd.s32 v14, v9;
	v14 =	vld [tilespmem:s17+$0x103F0]  }
0xab: {  	v15 =	vld [tilespmem:s16+$0xC7F0];
	v9 =	vadd.s32 v10, v9  }
0xac: {  	v10 =	vld [tilespmem:s16+$0xCBF0];
	v9 =	vadd.s32 v11, v9  }
0xad: {  	v11 =	vld [tilespmem:s16+$0xCFF0];
	v9 =	vadd.s32 v12, v9  }
0xae: {  	v12 =	vld [tilespmem:s16+$0xD3F0];
	v9 =	vadd.s32 v13, v9  }
0xaf: {  	v13 =	vld [tilespmem:s16+$0xD7F0];
	v9 =	vadd.s32 v14, v9  }
0xb0: {  	v6, _, _ =	vpop (xrf0);
	v14 =	vld [tilespmem:s16+$0xDBF0];
	v16 =	vperm.xlane v9, v4;
	(xrf0) =	vadd.scan.msk.s32 $0xffff, v9  }
0xb1: {  	v9 =	vadd.s32 v15, v10;
	v10 =	vld [tilespmem:s16+$0xDFF0]  }
0xb2: {  	v9 =	vadd.s32 v11, v9;
	v11 =	vld [tilespmem:s16+$0xE3F0];
	(xrf0) =	vadd.scan.msk.s32 $0xffff, v16  }
0xb3: {  	v15 =	vld [tilespmem:s16+$0xE7F0];
	v9 =	vadd.s32 v12, v9  }
0xb4: {  	v9 =	vadd.s32 v13, v9;
	v13 =	vld [tilespmem:s16+$0xEBF0]  }
0xb5: {  	v9 =	vadd.s32 v14, v9;
	v14 =	vld [tilespmem:s16+$0xEFF0]  }
0xb6: {  	v16 =	vld [tilespmem:s16+$0xF3F0];
	v9 =	vadd.s32 v10, v9;
	v17, _, _ =	vpop (xrf0)  }
0xb7: {  	v12 =	vld [tilespmem:s16+$0xF7F0];
	v9 =	vadd.s32 v11, v9;
	(v2sf) =	vpush v17, $0xF  }
0xb8: {  	v10 =	vld [tilespmem:s16+$0xFBF0];
	v9 =	vadd.s32 v15, v9;
	v15, _, _ =	vpop (xrf0)  }
0xb9: {  	v11 =	vld [tilespmem:s16+$0xFFF0];
	v9 =	vadd.s32 v13, v9;
	v18 =	vperm.xlane v15, v4  }
0xba: {  	s15 =	simm.s32 $0x0;
	s18 =	simm.s32 $0xFFFFFFE0;
	v7 =	vbroadcast v6, $0xF;
	v9 =	vadd.s32 v14, v9;
	v14 =	vld [tilespmem:s16+$0x103F0]  }
0xbb: {  	s19 =	simm.s32 $0xFFFFFF40;
	v8 =	vimm.s32 $0x0;
	v13 =	vld [tilespmem:s18+$0xC7F0];
	v15 =	vadd.s32 v16, v9;
	v9 =	vadd.s32 s15, v18  }
.LBB2_15:
0xbc: {  	p0 =	sne.s32 s19, $0xFFFFF040;
	v16 =	vld [tilespmem:s18+$0xCBF0];
	v12 =	vadd.s32 v12, v15;
	[tilespmem:s17+$0x147F0] =	vst v9;
	v9 =	vadd.s32 v7, v9;
	s17 =	smov.u32 s16;
	s16 =	smov.u32 s18  }
0xbd: {  	v15 =	vld [tilespmem:s16+$0xCFF0];
	v10 =	vadd.s32 v10, v12;
	vm0 =	vgt.s32 v9, $0x2732  }
0xbe: {  	v9 =	vld [tilespmem:s16+$0xD3F0];
	v10 =	vadd.s32 v11, v10;
	v11 =	vsel vm0, $0x1, v1  }
0xbf: {  	v12 =	vld [tilespmem:s16+$0xD7F0];
	v10 =	vadd.s32 v14, v10;
	v8 =	vadd.s32 v11, v8  }
0xc0: {  	v11 =	vld [tilespmem:s16+$0xDBF0];
	v14 =	vperm.xlane v10, v4;
	(xrf0) =	vadd.scan.msk.s32 $0xffff, v10  }
0xc1: {  	v10 =	vadd.s32 v13, v16;
	v13 =	vld [tilespmem:s16+$0xDFF0]  }
0xc2: {  	v10 =	vadd.s32 v15, v10;
	v15 =	vld [tilespmem:s16+$0xE3F0];
	(xrf0) =	vadd.scan.msk.s32 $0xffff, v14  }
0xc3: {  	v9 =	vadd.s32 v9, v10;
	v10 =	vld [tilespmem:s16+$0xE7F0]  }
0xc4: {  	v9 =	vadd.s32 v12, v9;
	v14 =	vld [tilespmem:s16+$0xEBF0]  }
0xc5: {  	v9 =	vadd.s32 v11, v9;
	v16 =	vld [tilespmem:s16+$0xEFF0]  }
0xc6: {  	v9 =	vadd.s32 v13, v9;
	v17 =	vld [tilespmem:s16+$0xF3F0];
	v11, _, _ =	vpop (xrf0);
	s18 =	spop (v2sf)  }
.Ltmp6:
0xc7: {  	v9 =	vadd.s32 v15, v9;
	v12 =	vld [tilespmem:s16+$0xF7F0];
	(v2sf) =	vpush v11, $0xF;
	s15 =	sadd.s32 s15, s18;
	(pc) =	sbr.rel @p0 .LBB2_15-.Ltmp6, $4  }
0xc8: {  	v9 =	vadd.s32 v10, v9;
	v10 =	vld [tilespmem:s16+$0xFBF0];
	v13, _, _ =	vpop (xrf0)  }
0xc9: {  	v9 =	vadd.s32 v14, v9;
	v11 =	vld [tilespmem:s16+$0xFFF0];
	v18 =	vperm.xlane v13, v4  }
0xca: {  	s18 =	sshra.s32 s19, $0x2;
	v9 =	vadd.s32 v16, v9;
	v14 =	vld [tilespmem:s16+$0x103F0]  }
0xcb: {  	s19 =	sadd.s32 $0xFFFFFFC0, s19;
	v13 =	vld [tilespmem:s18+$0xC7F0];
	v15 =	vadd.s32 v17, v9;
	v9 =	vadd.s32 s15, v18  }
0xcc: {  	v16 =	vld [tilespmem:s18+$0xCBF0];
	[tilespmem:s17+$0x147F0] =	vst v9  }
0xcd: {  	v17 =	vld [tilespmem:s18+$0xCFF0]  }
0xce: {  	v18 =	vld [tilespmem:s18+$0xD3F0]  }
0xcf: {  	v12 =	vadd.s32 v12, v15;
	v49 =	vld [tilespmem:s18+$0xD7F0]  }
0xd0: {  	v10 =	vadd.s32 v10, v12;
	v50 =	vld [tilespmem:s18+$0xDBF0]  }
0xd1: {  	v51 =	vld [tilespmem:s18+$0xDFF0];
	v10 =	vadd.s32 v11, v10;
	v11 =	vadd.s32 v13, v16  }
0xd2: {  	v52 =	vld [tilespmem:s18+$0xE3F0];
	v10 =	vadd.s32 v14, v10;
	v11 =	vadd.s32 v17, v11  }
0xd3: {  	v53 =	vld [tilespmem:s18+$0xE7F0];
	(xrf0) =	vadd.scan.msk.s32 $0xffff, v10;
	v11 =	vadd.s32 v18, v11  }
0xd4: {  	v54 =	vld [tilespmem:s18+$0xEBF0];
	v11 =	vadd.s32 v49, v11  }
0xd5: {  	v55 =	vld [tilespmem:s18+$0xEFF0];
	v11 =	vadd.s32 v50, v11  }
0xd6: {  	v56 =	vld [tilespmem:s18+$0xF3F0];
	v11 =	vadd.s32 v51, v11  }
0xd7: {  	v57 =	vld [tilespmem:s18+$0xF7F0];
	v11 =	vadd.s32 v52, v11  }
0xd8: {  	v58 =	vld [tilespmem:s18+$0xFBF0];
	v11 =	vadd.s32 v53, v11  }
0xd9: {  	v60 =	vld [tilespmem:s18+$0xFFF0];
	v59, _, _ =	vpop (xrf0);
	v11 =	vadd.s32 v54, v11  }
0xda: {  	v61 =	vld [tilespmem:s18+$0x103F0];
	(v2sf) =	vpush v59, $0xF;
	v11 =	vadd.s32 v55, v11  }
0xdb: {  	v11 =	vadd.s32 v56, v11  }
0xdc: {  	v11 =	vadd.s32 v57, v11  }
0xdd: {  	v11 =	vadd.s32 v58, v11  }
0xde: {  	v10 =	vperm.xlane v10, v4;
	v11 =	vadd.s32 v60, v11  }
0xdf: {  	v11 =	vadd.s32 v61, v11  }
0xe0: {  	(xrf0) =	vadd.scan.msk.s32 $0xffff, v10;
	v10 =	vperm.xlane v11, v4  }
0xe1: {  	(xrf0) =	vadd.scan.msk.s32 $0xffff, v11  }
0xe2: {  	(xrf0) =	vadd.scan.msk.s32 $0xffff, v10;
	_ =	sdelay $0x3  }
0xe3: {  	v10, _, _ =	vpop (xrf0)  }
0xe4: {  	v11, _, _ =	vpop (xrf0)  }
0xe5: {  	s26 =	spop (v2sf);
	v10 =	vperm.xlane v10, v4;
	v62, _, _ =	vpop (xrf0)  }
0xe6: {  	v9 =	vadd.s32 v7, v9;
	s15 =	sadd.s32 s15, s26;
	s28 =	spop (v2sf);
	v12 =	vperm.xlane v62, v4  }
0xe7: {  	vm0 =	vgt.s32 v9, $0x2732;
	v9 =	vadd.s32 s15, v10;
	s15 =	sadd.s32 s15, s28  }
0xe8: {  	(v2sf) =	vpush v11, $0xF;
	v10 =	vadd.s32 v7, v9;
	v11 =	vadd.s32 s15, v12  }
0xe9: {  	v63 =	vsel vm0, $0x1, v1;
	vm13 =	vgt.s32 v10, $0x2732;
	v7 =	vadd.s32 v7, v11  }
0xea: {  	v8 =	vadd.s32 v63, v8;
	v10 =	vsel vm13, $0x1, v1;
	vm14 =	vgt.s32 v7, $0x2732  }
0xeb: {  	v7 =	vadd.s32 v10, v8;
	v8 =	vsel vm14, $0x1, v1  }
0xec: {  	v7 =	vadd.s32 v8, v7  }
0xed: {  	(xrf0) =	vadd.scan.msk.s32 $0xffff, v7;
	_ =	sdelay $0x2  }
0xee: {  	[tilespmem:s16+$0x147F0] =	vst v9  }
0xef: {  	s29 =	simm.s32 $0x14400;
	[tilespmem:s18+$0x147F0] =	vst v11  }
0xf0: {  	v10 =	vld [tilespmem:s29+$0x0]  }
0xf1: {  	v8, _, _ =	vpop (xrf0)  }
0xf2: {  	s30 =	simm.s32 $0x0;
	v7 =	vbroadcast v8, $0xF  }
0xf3: {  	v9 =	vor.u32 s30, v0  }
0xf4: {  	vm15 =	veq.s32 v9, v7  }
0xf5: {  	s16 =	simm.s32 $0x14410;
	s15 =	simm.s32 $0x10;
	s31 =	spop (v2sf);
	v9 =	vimm.s32 $0x0;
	v10 =	vnsel vm15, $0x0, v10  }
.LBB2_17:
0xf6: {  	v11 =	vld [tilespmem:s16+$0x0];
	p0 =	seq.s32 s15, $0x3F0;
	v9 =	vadd.s32 v9, v10;
	s17 =	smov.u32 s15;
	s15 =	sadd.s32 $0x10, s15  }
.Ltmp7:
0xf7: {  	(pc) =	sbr.rel @!p0 .LBB2_17-.Ltmp7, $4  }
0xf8: {  	_ = 	snop  }
0xf9: {  	v10 =	vor.u32 s17, v0  }
0xfa: {  	vm0 =	veq.s32 v10, v7  }
0xfb: {  	s16 =	sadd.s32 $0x10, s16;
	v10 =	vnsel vm0, $0x0, v11  }
0xfc: {  	v7 =	vadd.s32 v9, v10;
	s15 =	simm.s32 $0x40;
	s16 =	simm.s32 $0x0  }
.LBB2_19:
0xfd: {  	p0 =	seq.s32 s15, $0x1FFC0;
	[tilespmem:s16+$0xC400] =	vst v1;
	s16 =	smov.u32 s15;
	s15 =	sadd.s32 $0x40, s15  }
.Ltmp8:
0xfe: {  	(pc) =	sbr.rel @!p0 .LBB2_19-.Ltmp8, $2  }
0xff: {  	_ =	sdelay $0x2  }
0x100: {  	s16 =	sshra.s32 s16, $0x2  }
0x101: {  	(v2sf) =	vpush v8, $0xF;
	_ =	sdelay $0xe  }
0x102: {  	s14 =	sshll.u32 s14, $0xA;
	s15 =	spop (v2sf)  }
0x103: {  	s14 =	sadd.s32 s15, s14  }
0x104: {  	s14 =	sadd.s32 $0xFFFFFFFF, s14  }
0x105: {  	[tilespmem:s16+$0xC400] =	vst v1;
	s16 =	simm.s32 $0x0;
	s15 =	simm.s32 $0x40;
	v8 =	vmov s14  }
.LBB2_21:
0x106: {  	p0 =	seq.s32 s15, $0x30FC0;
	v9 =	vld [tilespmem:s16+$0x0];
	_ =	sdelay $0x4  }
0x107: {  	v10 =	vshrl.u32 v9, $0xB  }
0x108: {  	v10 =	vand.u32 $0xFFFFF, v10  }
0x109: {  	v9 =	vand.u32 $0x7FF, v9;
	vm0 =	veq.s32 v10, v8  }
0x10a: {  	v9 =	vor.u32 v5, v9  }
.Ltmp9:
0x10b: {  	(pc) =	sbr.rel @!p0 .LBB2_21-.Ltmp9, $2  }
0x10c: {  	_ =	sdelay $0x2  }
0x10d: {  	s16 =	sshra.s32 s15, $0x2;
	s15 =	sadd.s32 $0x40, s15;
	[tilespmem:v9+s10+$0x0] =	vst.idx.add.s32.msk vm0, v3  }
0x10e: {  	v9 =	vld [tilespmem:s16+$0x0];
	_ =	sdelay $0x4  }
0x10f: {  	v10 =	vshrl.u32 v9, $0xB  }
0x110: {  	v10 =	vand.u32 $0xFFFFF, v10  }
0x111: {  	vm0 =	veq.s32 v10, v8;
	v8 =	vand.u32 $0x7FF, v9  }
0x112: {  	v8 =	vor.u32 v5, v8;
	_ =	sdelay $0x4  }
0x113: {  	s17 =	simm.s32 $0x0;
	[tilespmem:v8+s10+$0x0] =	vst.idx.add.s32.msk vm0, v3  }
0x114: {  	v8 =	vld [tilespmem:s17+$0xCBF0]  }
0x115: {  	v9 =	vld [tilespmem:s17+$0xD3F0]  }
0x116: {  	v10 =	vld [tilespmem:s17+$0xDBF0]  }
0x117: {  	v11 =	vld [tilespmem:s17+$0xE3F0]  }
0x118: {  	v12 =	vld [tilespmem:s17+$0xEBF0]  }
0x119: {  	v13 =	vld [tilespmem:s17+$0xF3F0]  }
0x11a: {  	v8 =	vadd.s32 v8, v9;
	v9 =	vld [tilespmem:s17+$0xFBF0]  }
0x11b: {  	(xrf0) =	vadd.scan.msk.s32 $0xffff, v7;
	v8 =	vadd.s32 v10, v8;
	v10 =	vld [tilespmem:s17+$0x103F0]  }
0x11c: {  	v8 =	vadd.s32 v11, v8;
	v11 =	vld [tilespmem:s17+$0x10BF0]  }
0x11d: {  	v8 =	vadd.s32 v12, v8;
	v12 =	vld [tilespmem:s17+$0x113F0]  }
0x11e: {  	v8 =	vadd.s32 v13, v8;
	v13 =	vld [tilespmem:s17+$0x11BF0]  }
0x11f: {  	v8 =	vadd.s32 v9, v8;
	v9 =	vld [tilespmem:s17+$0x123F0]  }
0x120: {  	v8 =	vadd.s32 v10, v8;
	v10 =	vld [tilespmem:s17+$0x12BF0]  }
0x121: {  	(v2sf) =	vpush v6, $0xF;
	v6, _, _ =	vpop (xrf0);
	v8 =	vadd.s32 v11, v8;
	v11 =	vld [tilespmem:s17+$0x133F0]  }
0x122: {  	(v2sf) =	vpush v6, $0xF;
	v8 =	vadd.s32 v12, v8;
	v12 =	vld [tilespmem:s17+$0x13BF0]  }
0x123: {  	s16 =	simm.s32 $0xFFFFFFF0;
	v8 =	vadd.s32 v13, v8;
	v13 =	vld [tilespmem:s17+$0x143F0]  }
0x124: {  	v14 =	vld [tilespmem:s16+$0xCBF0];
	v8 =	vadd.s32 v9, v8  }
0x125: {  	v9 =	vld [tilespmem:s16+$0xD3F0];
	v8 =	vadd.s32 v10, v8  }
0x126: {  	v10 =	vld [tilespmem:s16+$0xDBF0];
	v8 =	vadd.s32 v11, v8  }
0x127: {  	v11 =	vld [tilespmem:s16+$0xE3F0];
	v8 =	vadd.s32 v12, v8  }
0x128: {  	v12 =	vld [tilespmem:s16+$0xEBF0];
	v8 =	vadd.s32 v13, v8  }
0x129: {  	v13 =	vld [tilespmem:s16+$0xF3F0];
	v15 =	vperm.xlane v8, v4;
	(xrf0) =	vadd.scan.msk.s32 $0xffff, v8  }
0x12a: {  	v8 =	vadd.s32 v14, v9;
	v9 =	vld [tilespmem:s16+$0xFBF0]  }
0x12b: {  	v8 =	vadd.s32 v10, v8;
	v10 =	vld [tilespmem:s16+$0x103F0];
	(xrf0) =	vadd.scan.msk.s32 $0xffff, v15  }
0x12c: {  	v14 =	vld [tilespmem:s16+$0x10BF0];
	v8 =	vadd.s32 v11, v8  }
0x12d: {  	v8 =	vadd.s32 v12, v8;
	v12 =	vld [tilespmem:s16+$0x113F0]  }
0x12e: {  	v8 =	vadd.s32 v13, v8;
	v13 =	vld [tilespmem:s16+$0x11BF0]  }
0x12f: {  	v15 =	vld [tilespmem:s16+$0x123F0];
	v8 =	vadd.s32 v9, v8;
	v16, _, _ =	vpop (xrf0)  }
0x130: {  	s15 =	spop (v2sf);
	v11 =	vld [tilespmem:s16+$0x12BF0];
	v8 =	vadd.s32 v10, v8;
	(v2sf) =	vpush v16, $0xF  }
0x131: {  	s31 =	spop (v2sf);
	v9 =	vld [tilespmem:s16+$0x133F0];
	v8 =	vadd.s32 v14, v8;
	v14, _, _ =	vpop (xrf0)  }
0x132: {  	s15 =	sadd.s32 s15, s31;
	v10 =	vld [tilespmem:s16+$0x13BF0];
	v8 =	vadd.s32 v12, v8;
	v17 =	vperm.xlane v14, v4  }
0x133: {  	s18 =	simm.s32 $0xFFFFFFE0;
	v6 =	vmov s15;
	s15 =	simm.s32 $0x0;
	v8 =	vadd.s32 v13, v8;
	v13 =	vld [tilespmem:s16+$0x143F0]  }
0x134: {  	v7 =	vimm.s32 $0x0;
	s19 =	simm.s32 $0xFFFFFF40;
	v12 =	vld [tilespmem:s18+$0xCBF0];
	v14 =	vadd.s32 v15, v8;
	v8 =	vadd.s32 s15, v17  }
.LBB2_23:
0x135: {  	p0 =	sne.s32 s19, $0xFFFFE040;
	v15 =	vld [tilespmem:s18+$0xD3F0];
	v11 =	vadd.s32 v11, v14;
	[tilespmem:s17+$0x14BF0] =	vst v8;
	v8 =	vadd.s32 v6, v8;
	s17 =	smov.u32 s16;
	s16 =	smov.u32 s18  }
0x136: {  	v14 =	vld [tilespmem:s16+$0xDBF0];
	v9 =	vadd.s32 v9, v11;
	vm0 =	vgt.s32 v8, $0x2732  }
0x137: {  	v8 =	vld [tilespmem:s16+$0xE3F0];
	v9 =	vadd.s32 v10, v9;
	v10 =	vsel vm0, $0x1, v1  }
0x138: {  	v11 =	vld [tilespmem:s16+$0xEBF0];
	v9 =	vadd.s32 v13, v9;
	v7 =	vadd.s32 v10, v7  }
0x139: {  	v10 =	vld [tilespmem:s16+$0xF3F0];
	v13 =	vperm.xlane v9, v4;
	(xrf0) =	vadd.scan.msk.s32 $0xffff, v9  }
0x13a: {  	v9 =	vadd.s32 v12, v15;
	v12 =	vld [tilespmem:s16+$0xFBF0]  }
0x13b: {  	v9 =	vadd.s32 v14, v9;
	v14 =	vld [tilespmem:s16+$0x103F0];
	(xrf0) =	vadd.scan.msk.s32 $0xffff, v13  }
0x13c: {  	v8 =	vadd.s32 v8, v9;
	v9 =	vld [tilespmem:s16+$0x10BF0]  }
0x13d: {  	v8 =	vadd.s32 v11, v8;
	v13 =	vld [tilespmem:s16+$0x113F0]  }
0x13e: {  	v8 =	vadd.s32 v10, v8;
	v15 =	vld [tilespmem:s16+$0x11BF0]  }
0x13f: {  	v8 =	vadd.s32 v12, v8;
	v16 =	vld [tilespmem:s16+$0x123F0];
	v10, _, _ =	vpop (xrf0);
	s18 =	spop (v2sf)  }
.Ltmp10:
0x140: {  	v8 =	vadd.s32 v14, v8;
	v11 =	vld [tilespmem:s16+$0x12BF0];
	(v2sf) =	vpush v10, $0xF;
	s15 =	sadd.s32 s15, s18;
	(pc) =	sbr.rel @p0 .LBB2_23-.Ltmp10, $4  }
0x141: {  	v8 =	vadd.s32 v9, v8;
	v9 =	vld [tilespmem:s16+$0x133F0];
	v12, _, _ =	vpop (xrf0)  }
0x142: {  	v8 =	vadd.s32 v13, v8;
	v10 =	vld [tilespmem:s16+$0x13BF0];
	v17 =	vperm.xlane v12, v4  }
0x143: {  	s18 =	sshra.s32 s19, $0x2;
	v8 =	vadd.s32 v15, v8;
	v13 =	vld [tilespmem:s16+$0x143F0]  }
0x144: {  	s19 =	sadd.s32 $0xFFFFFFC0, s19;
	v12 =	vld [tilespmem:s18+$0xCBF0];
	v14 =	vadd.s32 v16, v8;
	v8 =	vadd.s32 s15, v17  }
0x145: {  	v15 =	vld [tilespmem:s18+$0xD3F0];
	[tilespmem:s17+$0x14BF0] =	vst v8  }
0x146: {  	v16 =	vld [tilespmem:s18+$0xDBF0]  }
0x147: {  	v17 =	vld [tilespmem:s18+$0xE3F0]  }
0x148: {  	v11 =	vadd.s32 v11, v14;
	v46 =	vld [tilespmem:s18+$0xEBF0]  }
0x149: {  	v9 =	vadd.s32 v9, v11;
	v47 =	vld [tilespmem:s18+$0xF3F0]  }
0x14a: {  	v49 =	vld [tilespmem:s18+$0xFBF0];
	v9 =	vadd.s32 v10, v9;
	v48 =	vadd.s32 v12, v15  }
0x14b: {  	v50 =	vld [tilespmem:s18+$0x103F0];
	v9 =	vadd.s32 v13, v9;
	v10 =	vadd.s32 v16, v48  }
0x14c: {  	v51 =	vld [tilespmem:s18+$0x10BF0];
	(xrf0) =	vadd.scan.msk.s32 $0xffff, v9;
	v10 =	vadd.s32 v17, v10  }
0x14d: {  	v52 =	vld [tilespmem:s18+$0x113F0];
	v10 =	vadd.s32 v46, v10  }
0x14e: {  	v53 =	vld [tilespmem:s18+$0x11BF0];
	v10 =	vadd.s32 v47, v10  }
0x14f: {  	v54 =	vld [tilespmem:s18+$0x123F0];
	v10 =	vadd.s32 v49, v10  }
0x150: {  	v55 =	vld [tilespmem:s18+$0x12BF0];
	v10 =	vadd.s32 v50, v10  }
0x151: {  	v56 =	vld [tilespmem:s18+$0x133F0];
	v10 =	vadd.s32 v51, v10  }
0x152: {  	v58 =	vld [tilespmem:s18+$0x13BF0];
	v57, _, _ =	vpop (xrf0);
	v10 =	vadd.s32 v52, v10  }
0x153: {  	v59 =	vld [tilespmem:s18+$0x143F0];
	(v2sf) =	vpush v57, $0xF;
	v10 =	vadd.s32 v53, v10  }
0x154: {  	v10 =	vadd.s32 v54, v10  }
0x155: {  	v10 =	vadd.s32 v55, v10  }
0x156: {  	v10 =	vadd.s32 v56, v10  }
0x157: {  	v9 =	vperm.xlane v9, v4;
	v10 =	vadd.s32 v58, v10  }
0x158: {  	v10 =	vadd.s32 v59, v10  }
0x159: {  	(xrf0) =	vadd.scan.msk.s32 $0xffff, v9;
	v60 =	vperm.xlane v10, v4  }
0x15a: {  	(xrf0) =	vadd.scan.msk.s32 $0xffff, v10  }
0x15b: {  	(xrf0) =	vadd.scan.msk.s32 $0xffff, v60;
	_ =	sdelay $0x3  }
0x15c: {  	v61, _, _ =	vpop (xrf0)  }
0x15d: {  	v10, _, _ =	vpop (xrf0)  }
0x15e: {  	s29 =	spop (v2sf);
	v9 =	vperm.xlane v61, v4;
	v62, _, _ =	vpop (xrf0)  }
0x15f: {  	s15 =	sadd.s32 s15, s29;
	s30 =	spop (v2sf);
	v11 =	vperm.xlane v62, v4  }
0x160: {  	v8 =	vadd.s32 v6, v8;
	v9 =	vadd.s32 s15, v9;
	s15 =	sadd.s32 s15, s30  }
0x161: {  	vm0 =	vgt.s32 v8, $0x2732;
	v8 =	vadd.s32 v6, v9;
	v11 =	vadd.s32 s15, v11  }
0x162: {  	v63 =	vsel vm0, $0x1, v1;
	vm14 =	vgt.s32 v8, $0x2732;
	v6 =	vadd.s32 v6, v11  }
0x163: {  	v7 =	vadd.s32 v63, v7;
	v8 =	vsel vm14, $0x1, v1;
	vm15 =	vgt.s32 v6, $0x2732  }
0x164: {  	v6 =	vadd.s32 v8, v7;
	v7 =	vsel vm15, $0x1, v1  }
0x165: {  	v6 =	vadd.s32 v7, v6  }
0x166: {  	(xrf0) =	vadd.scan.msk.s32 $0xffff, v6;
	_ =	sdelay $0x5  }
0x167: {  	(v2sf) =	vpush v10, $0xF;
	v6, _, _ =	vpop (xrf0)  }
0x168: {  	(v2sf) =	vpush v6, $0xF;
	_ =	sdelay $0xd  }
0x169: {  	s31 =	spop (v2sf)  }
0x16a: {  	s14 =	sshll.u32 s14, $0xB;
	s15 =	spop (v2sf)  }
0x16b: {  	s14 =	sadd.s32 s15, s14  }
0x16c: {  	[tilespmem:s16+$0x14BF0] =	vst v9;
	s14 =	sadd.s32 $0xFFFFFFFF, s14  }
0x16d: {  	[tilespmem:s18+$0x14BF0] =	vst v11;
	s15 =	simm.s32 $0x40;
	v6 =	vmov s14;
	s14 =	simm.s32 $0x0  }
.LBB2_25:
0x16e: {  	p0 =	sne.s32 s15, $0x30FC0;
	v7 =	vld [tilespmem:s14+$0x0];
	_ =	sdelay $0x3  }
.Ltmp11:
0x16f: {  	(pc) =	sbr.rel @p0 .LBB2_25-.Ltmp11, $4  }
0x170: {  	v8 =	vand.u32 $0x7FFFFFFF, v7  }
0x171: {  	vm0 =	vgt.s32 v6, v8  }
0x172: {  	v7 =	vsel vm0, $0x0, v7  }
0x173: {  	[tilespmem:s14+$0x0] =	vst v7;
	s14 =	sshra.s32 s15, $0x2;
	s15 =	sadd.s32 $0x40, s15  }
0x174: {  	v7 =	vld [tilespmem:s14+$0x0];
	_ =	sdelay $0x4  }
0x175: {  	v8 =	vand.u32 $0x7FFFFFFF, v7  }
0x176: {  	s12 =	sadd.s32 $0x1, s12;
	vm0 =	vgt.s32 v6, v8  }
0x177: {  	p0 =	sne.s32 s12, $0x18;
	v6 =	vsel vm0, $0x0, v7  }
.Ltmp12:
0x178: {  	s13 =	sadd.s32 s4, s13;
	[tilespmem:s14+$0x0] =	vst v6;
	(pc) =	sbr.rel @p0 .LBB2_2-.Ltmp12, $4  }
0x179: {  	[hbm4b:s13+s7] =	stream.strided.scatter [tilespmem:s3], [sflag:$0x1], $0xC400, s8, s7, $0x38;
	[tilespmem:$0x14C00] =	vst v63  }
0x17a: {  	_ =	swait.ge [sflag:s9], $0xC400  }
0x17b: {  	[sflag:s9] =	ssyncset.done $0x0  }
0x17c: {  	[sflag:s9] =	ssyncadd.s32 $0xFFFF3C00  }
0x17d: {  	s11 =	sadd.s32 $0x1, s11  }
0x17e: {  	p0 =	sne.s32 s11, s6  }
.Ltmp13:
0x17f: {  	_ = 	snop;
	(pc) =	sbr.rel @p0 .LBB2_1-.Ltmp13, $1  }
0x180: {  	_ =	sdelay $0x3  }
0x181: {  	_ =	sfence.sel $0x180000  }
0x182: {  	[bflag:$0x0] =	sbarrier.arrive $0xFFFF  }
0x183: {  	p0 =	sne.s32 s2, $0x0;
	_ =	strace $0x90000047  }
0x184: {  	s0 =	sadd.s32 @!p0 $0x100000, s0;
	[bflag:$0x2] =	sbarrier.arrive $0xFFFF  }
0x185: {  	[sflag:s0] =	ssyncadd.tile.s32 @!p0 $0x1;
	_ =	shalt  }
.Lfunc_end2:
_tile_overlayer_lowered:
.L_overlay_start_2:
0x186: {  	(tag) =	ssettag $0x2  }
0x187: {  	s0 =	rddreg [dreg:$0x0];
	s2 =	stileid.u32  }
0x188: {  	s1 =	rddreg [dreg:$0x1];
	p0 =	sne.s32 s2, $0x0  }
0x189: {  	s3 =	rddreg [dreg:$0x2];
	[bflag:$0x3] =	sbarrier.arrive $0xFFFF;
	s2 =	simm.s32 @!p0 $0x1C01  }
0x18a: {  	[timem:s3], [sflag:s2] =	dma.local @!p0 [hbm:s0], s1  }
0x18b: {  	s0 =	simm.s32 @!p0 $0x1  }
0x18c: {  	_ =	swait.ge @!p0 [sflag:s0], s1  }
0x18d: {  	s1 =	ssub.s32 @!p0 $0x0, s1;
	[sflag:s0] =	ssyncset.done @!p0 $0x0  }
0x18e: {  	[sflag:s0] =	ssyncadd.s32 @!p0 s1  }
0x18f: {  	[bflag:$0x3] =	sbarrier.arrive $0xFFFF  }
0x190: {  	_ =	shalt  }

</sc_bundles>
